<compile_context>
chip_gen: v7x
topology: tpu7x:2x2x1
jax: 0.10.2.dev20260603
libtpu: 0.0.44.dev20260713+nightly
codegen_flags: <defaults>
</compile_context>

<pallas_src>
import jax
import jax.numpy as jnp
from jax import lax
from jax.experimental import pallas as pl
from jax.experimental.pallas import tpu as pltpu
from jax.experimental.pallas import tpu_sc as plsc

N = 4096
K = 32
CUTOFF2 = 25.0
N_MOL = 32
NC = 2
NS = 16
NW = NC * NS
CPW = N // NW
OPW = CPW * K
VBLK = 512
BIG = 1e18
HUGE = 3.0e30


def _splat(i):
  return jnp.full((16,), i, jnp.int32)


def _scalar16(v):
  return jax.lax.reduce_max(v, axes=(0,))


def _sqrt16(x):
  i = plsc.bitcast(x, jnp.int32)
  i = jnp.int32(0x5F3759DF) - (i >> 1)
  y = plsc.bitcast(i, jnp.float32)
  for _ in range(4):
    y = y * (jnp.float32(1.5) - jnp.float32(0.5) * x * y * y)
  return x * y


def _bf16r(v):
  i = plsc.bitcast(v, jnp.int32)
  i = (i + jnp.int32(0x7FFF) + ((i >> 16) & jnp.int32(1))) & jnp.int32(-65536)
  return plsc.bitcast(i, jnp.float32)


def _merge16(ak, av, bk, bv):
  rk = lax.rev(bk, (0,))
  rv = lax.rev(bv, (0,))
  le = ak <= rk
  lok = jnp.where(le, ak, rk)
  lov = jnp.where(le, av, rv)
  hik = jnp.where(le, rk, ak)
  hiv = jnp.where(le, rv, av)
  lok, lov = plsc.sort_key_val(lok, lov)
  hik, hiv = plsc.sort_key_val(hik, hiv)
  return lok, lov, hik, hiv


def _tie_fix(tkb, tvb, t0k, t0v, t1k, t1v, iota16):
  tkb[pl.ds(16, 16)] = t0k
  tkb[pl.ds(32, 16)] = t1k
  for q in (0, 1):
    tvb[pl.ds(16, 16)] = t0v
    tvb[pl.ds(32, 16)] = t1v
    isl = (iota16 & 1) == q
    kup0 = tkb[pl.ds(17, 16)]
    kdn0 = tkb[pl.ds(15, 16)]
    kup1 = tkb[pl.ds(33, 16)]
    kdn1 = tkb[pl.ds(31, 16)]
    vup0 = tvb[pl.ds(17, 16)]
    vdn0 = tvb[pl.ds(15, 16)]
    vup1 = tvb[pl.ds(33, 16)]
    vdn1 = tvb[pl.ds(31, 16)]
    t0v = jnp.where(isl & (t0k == kup0) & (t0v > vup0), vup0,
                    jnp.where(~isl & (kdn0 == t0k) & (vdn0 > t0v), vdn0, t0v))
    t1v = jnp.where(isl & (t1k == kup1) & (t1v > vup1), vup1,
                    jnp.where(~isl & (kdn1 == t1k) & (vdn1 > t1v), vdn1, t1v))
  return t0v, t1v


def _body(x_hbm, y_hbm, z_hbm, b_hbm, st_hbm,
          ei_hbm, w_hbm, vec_hbm,
          xv, yv, zv, bv, stv, eiv, wv, vblk, tkb, tvb):
  wid = lax.axis_index("s") * NC + lax.axis_index("c")
  pltpu.sync_copy(x_hbm, xv)
  pltpu.sync_copy(y_hbm, yv)
  pltpu.sync_copy(z_hbm, zv)
  pltpu.sync_copy(b_hbm, bv)
  pltpu.sync_copy(st_hbm, stv)

  iota16 = lax.iota(jnp.int32, 16)
  tkb[pl.ds(0, 16)] = jnp.full((16,), jnp.float32(-1.0))
  tkb[pl.ds(48, 16)] = jnp.full((16,), jnp.float32(-3.0))
  tvb[pl.ds(0, 16)] = _splat(0)
  tvb[pl.ds(48, 16)] = _splat(0)

  def center_body(jl, _):
    js = []
    for p in range(2):
      j = wid * CPW + jl * 2 + p
      jsplat = _splat(j)
      xj = plsc.load_gather(xv, [jsplat])
      yj = plsc.load_gather(yv, [jsplat])
      zj = plsc.load_gather(zv, [jsplat])
      bj = plsc.load_gather(bv, [jsplat])
      sqj = (xj * xj + yj * yj) + zj * zj
      lo = _scalar16(plsc.load_gather(stv, [bj]))
      hi = _scalar16(plsc.load_gather(stv, [bj + 1]))
      js.append((jsplat, xj, yj, zj, bj, sqj,
                 _bf16r(xj), _bf16r(yj), _bf16r(zj), lo, hi))

    glo = jnp.minimum(js[0][9], js[1][9]) >> 4
    ghi = (jnp.maximum(js[0][10], js[1][10]) + 15) >> 4

    pad = jnp.full((16,), jnp.float32(BIG))
    init = (pad, js[0][0], pad, js[0][0], pad, js[1][0], pad, js[1][0])

    def group_body(g, carry):
      bs = g * 16
      xc = xv[pl.ds(bs, 16)]
      yc = yv[pl.ds(bs, 16)]
      zc = zv[pl.ds(bs, 16)]
      bc = bv[pl.ds(bs, 16)]
      sqc = (xc * xc + yc * yc) + zc * zc
      xcb = _bf16r(xc)
      ycb = _bf16r(yc)
      zcb = _bf16r(zc)
      cv = bs + iota16
      out = []
      for p in range(2):
        jsplat, _, _, _, bj, sqj, xjb, yjb, zjb, _, _ = js[p]
        t0k, t0v, t1k, t1v = carry[4 * p:4 * p + 4]
        dot = (xcb * xjb + ycb * yjb) + zcb * zjb
        d2 = jnp.maximum((sqc + sqj) - jnp.float32(2.0) * dot,
                         jnp.float32(0.0))
        valid = (bc == bj) & (d2 <= jnp.float32(CUTOFF2))
        ck = jnp.where(valid, d2, jnp.float32(HUGE))
        sk, sv_ = plsc.sort_key_val(ck, cv)
        t0k, t0v, hk, hv = _merge16(t0k, t0v, sk, sv_)
        t1k, t1v, _, _ = _merge16(t1k, t1v, hk, hv)
        out += [t0k, t0v, t1k, t1v]
      return tuple(out)

    res = lax.fori_loop(glo, ghi, group_body, init)

    for p in range(2):
      jsplat, xj, yj, zj = js[p][0], js[p][1], js[p][2], js[p][3]
      fv0, fv1 = _tie_fix(tkb, tvb, res[4 * p], res[4 * p + 1],
                          res[4 * p + 2], res[4 * p + 3], iota16)
      for half, sv in enumerate((fv0, fv1)):
        sx = plsc.load_gather(xv, [sv])
        sy = plsc.load_gather(yv, [sv])
        sz = plsc.load_gather(zv, [sv])
        dx = sx - xj
        dy = sy - yj
        dz = sz - zj
        s2 = (dx * dx + dy * dy) + dz * dz
        m = sv != jsplat
        wgt = jnp.where(m, _sqrt16(jnp.where(m, s2, jnp.float32(1.0))),
                        jnp.float32(0.0))
        slot = (jl * 2 + p) * K + half * 16
        slots = slot + iota16
        plsc.store_scatter(eiv, [_splat(0), slots], sv)
        plsc.store_scatter(eiv, [_splat(1), slots], jsplat)
        wv[pl.ds(slot, 16)] = wgt
        rows = (slot & (VBLK - 1)) + iota16
        plsc.store_scatter(vblk, [rows, _splat(0)], dx)
        plsc.store_scatter(vblk, [rows, _splat(1)], dy)
        plsc.store_scatter(vblk, [rows, _splat(2)], dz)

    @pl.when(jl % (VBLK // (2 * K)) == VBLK // (2 * K) - 1)
    def _flush():
      blk = jl // (VBLK // (2 * K))
      pltpu.sync_copy(vblk, vec_hbm.at[pl.ds(wid * OPW + blk * VBLK, VBLK)])

    return 0

  lax.fori_loop(0, CPW // 2, center_body, 0)

  obase = wid * OPW
  pltpu.sync_copy(eiv, ei_hbm.at[:, pl.ds(obase, OPW)])
  pltpu.sync_copy(wv, w_hbm.at[pl.ds(obase, OPW)])


_sc_call = pl.kernel(
    _body,
    out_type=(
        jax.ShapeDtypeStruct((2, N * K), jnp.int32),
        jax.ShapeDtypeStruct((N * K,), jnp.float32),
        jax.ShapeDtypeStruct((N * K, 3), jnp.float32),
    ),
    mesh=plsc.VectorSubcoreMesh(core_axis_name="c", subcore_axis_name="s"),
    compiler_params=pltpu.CompilerParams(needs_layout_passes=False),
    scratch_types=[
        pltpu.VMEM((N,), jnp.float32),
        pltpu.VMEM((N,), jnp.float32),
        pltpu.VMEM((N,), jnp.float32),
        pltpu.VMEM((N,), jnp.int32),
        pltpu.VMEM((128,), jnp.int32),
        pltpu.VMEM((2, OPW), jnp.int32),
        pltpu.VMEM((OPW,), jnp.float32),
        pltpu.VMEM((VBLK, 3), jnp.float32),
        pltpu.VMEM((64,), jnp.float32),
        pltpu.VMEM((64,), jnp.int32),
    ],
)


@jax.jit
def kernel(pos, batch):
  x = pos[:, 0]
  y = pos[:, 1]
  z = pos[:, 2]
  b = batch.astype(jnp.int32)
  counts = jnp.sum(b[:, None] == jnp.arange(N_MOL, dtype=jnp.int32)[None, :],
                   axis=0, dtype=jnp.int32)
  starts = jnp.zeros((128,), jnp.int32).at[1:N_MOL + 1].set(jnp.cumsum(counts))
  edge_index, w, vec = _sc_call(x, y, z, b, starts)
  return edge_index, w, vec

# --- scband reference (transcript-rebuilt; emitter-appended) ---
"""Pipeline reference for scband-distance-52063593562436 (READ-ONLY COPY).

The authoritative reference and input builder live on the scoring server;
editing this copy changes nothing except your own understanding.
"""

import jax, jax.numpy as jnp
import numpy as np

CUTOFF = 5.0
MAX_NUM_NEIGHBORS = 32
ADD_SELF_LOOPS = True
N = 4096
N_MOL = 32


def setup_inputs(seed: int = 0) -> dict:
    key = jax.random.key(seed)
    k1, k2 = jax.random.split(key)
    pos = jax.random.normal(k1, (N, 3), dtype=jnp.float32)
    batch = jnp.sort(jax.random.randint(k2, (N,), 0, N_MOL, dtype=jnp.int32))
    return {"pos": pos, "batch": batch}


def _radius_graph(pos, batch, r, k, loop):
    # Fixed-shape adaptation of torch_cluster.radius_graph: for every center
    # node j, select up to k nearest candidates i with batch[i]==batch[j] and
    # ||pos[i]-pos[j]|| <= r. Slots with no valid neighbor are padded with
    # self-loops (src == dst), which the downstream Distance logic maps to
    # edge_weight 0 / edge_vec 0, matching loop=True semantics.
    n = pos.shape[0]
    sq = jnp.sum(pos * pos, axis=-1)
    d2 = jnp.maximum(sq[:, None] + sq[None, :] - 2.0 * (pos @ pos.T), 0.0)
    valid = (batch[:, None] == batch[None, :]) & (d2 <= r * r)
    if not loop:
        valid = valid & (~jnp.eye(n, dtype=bool))
    big = jnp.float32(1e18)
    d2m = jnp.where(valid, d2, big)
    vals, idx = jax.lax.top_k(-d2m, k)  # per-center nearest candidates
    sel_valid = vals > -big
    centers = jnp.broadcast_to(jnp.arange(n, dtype=idx.dtype)[:, None], (n, k))
    src = jnp.where(sel_valid, idx, centers)
    edge_index = jnp.stack([src.reshape(-1), centers.reshape(-1)], axis=0)
    return edge_index


def reference(pos, batch):
    edge_index = _radius_graph(pos, batch, CUTOFF, MAX_NUM_NEIGHBORS, ADD_SELF_LOOPS)
    edge_vec = pos[edge_index[0]] - pos[edge_index[1]]
    if ADD_SELF_LOOPS:
        mask = edge_index[0] != edge_index[1]
        sq = jnp.sum(edge_vec * edge_vec, axis=-1)
        norm = jnp.sqrt(jnp.where(mask, sq, 1.0))
        edge_weight = jnp.where(mask, norm, jnp.float32(0.0))
    else:
        edge_weight = jnp.sqrt(jnp.sum(edge_vec * edge_vec, axis=-1))
    return edge_index, edge_weight, edge_vec

if __name__ == "__main__":
    import jax
    _d = setup_inputs()
    print(jax.jit(kernel)(*tuple(_d.values())))

</pallas_src>

<mosaic_0001>
#map = affine_map<(d0, d1) -> (0)>
#map1 = affine_map<(d0, d1) -> (0, 0)>
module attributes {stable_mosaic.version = 14 : i64} {
  func.func @_body(%arg0: i32, %arg1: i32, %arg2: memref<4096xf32, #tpu.memory_space<hbm>>, %arg3: memref<4096xf32, #tpu.memory_space<hbm>>, %arg4: memref<4096xf32, #tpu.memory_space<hbm>>, %arg5: memref<4096xi32, #tpu.memory_space<hbm>>, %arg6: memref<128xi32, #tpu.memory_space<hbm>>, %arg7: memref<2x131072xi32, #tpu.memory_space<hbm>>, %arg8: memref<131072xf32, #tpu.memory_space<hbm>>, %arg9: memref<131072x3xf32, #tpu.memory_space<hbm>>, %arg10: memref<4096xf32, #tpu.memory_space<vmem>>, %arg11: memref<4096xf32, #tpu.memory_space<vmem>>, %arg12: memref<4096xf32, #tpu.memory_space<vmem>>, %arg13: memref<4096xi32, #tpu.memory_space<vmem>>, %arg14: memref<128xi32, #tpu.memory_space<vmem>>, %arg15: memref<2x4096xi32, #tpu.memory_space<vmem>>, %arg16: memref<4096xf32, #tpu.memory_space<vmem>>, %arg17: memref<512x3xf32, #tpu.memory_space<vmem>>, %arg18: memref<64xf32, #tpu.memory_space<vmem>>, %arg19: memref<64xi32, #tpu.memory_space<vmem>>) attributes {dimension_semantics = [#tpu.dimension_semantics<core_parallel>, #tpu.dimension_semantics<subcore_parallel>], iteration_bounds = array<i64: 2, 16>, scalar_prefetch = 0 : i64, scratch_operands = 10 : i64, tpu.core_type = #tpu.core_type<sc_vector_subcore>, window_params = [{transform_indices = #map}, {transform_indices = #map}, {transform_indices = #map}, {transform_indices = #map}, {transform_indices = #map}, {transform_indices = #map1}, {transform_indices = #map}, {transform_indices = #map1}]} {
    %mul3A = arith.constant 2 : i32
    %mul3A_0 = arith.muli %arg1, %mul3A : i32
    %add3A = arith.addi %mul3A_0, %arg0 : i32
    "tpu.region"() ({
      %run_scoped3A = tpu.sem_alloc : memref<!tpu.dma_semaphore, #tpu.memory_space<semaphore_mem>>
      tpu.enqueue_dma source(%arg2 : memref<4096xf32, #tpu.memory_space<hbm>>) target(%arg10 : memref<4096xf32, #tpu.memory_space<vmem>>) target_semaphore(%run_scoped3A : memref<!tpu.dma_semaphore, #tpu.memory_space<semaphore_mem>>)
      tpu.wait_dma2 semaphore(%run_scoped3A : memref<!tpu.dma_semaphore, #tpu.memory_space<semaphore_mem>>) src(%arg2 : memref<4096xf32, #tpu.memory_space<hbm>>) dst(%arg10 : memref<4096xf32, #tpu.memory_space<vmem>>)
      tpu.yield
    }) : () -> ()
    "tpu.region"() ({
      %run_scoped3A = tpu.sem_alloc : memref<!tpu.dma_semaphore, #tpu.memory_space<semaphore_mem>>
      tpu.enqueue_dma source(%arg3 : memref<4096xf32, #tpu.memory_space<hbm>>) target(%arg11 : memref<4096xf32, #tpu.memory_space<vmem>>) target_semaphore(%run_scoped3A : memref<!tpu.dma_semaphore, #tpu.memory_space<semaphore_mem>>)
      tpu.wait_dma2 semaphore(%run_scoped3A : memref<!tpu.dma_semaphore, #tpu.memory_space<semaphore_mem>>) src(%arg3 : memref<4096xf32, #tpu.memory_space<hbm>>) dst(%arg11 : memref<4096xf32, #tpu.memory_space<vmem>>)
      tpu.yield
    }) : () -> ()
    "tpu.region"() ({
      %run_scoped3A = tpu.sem_alloc : memref<!tpu.dma_semaphore, #tpu.memory_space<semaphore_mem>>
      tpu.enqueue_dma source(%arg4 : memref<4096xf32, #tpu.memory_space<hbm>>) target(%arg12 : memref<4096xf32, #tpu.memory_space<vmem>>) target_semaphore(%run_scoped3A : memref<!tpu.dma_semaphore, #tpu.memory_space<semaphore_mem>>)
      tpu.wait_dma2 semaphore(%run_scoped3A : memref<!tpu.dma_semaphore, #tpu.memory_space<semaphore_mem>>) src(%arg4 : memref<4096xf32, #tpu.memory_space<hbm>>) dst(%arg12 : memref<4096xf32, #tpu.memory_space<vmem>>)
      tpu.yield
    }) : () -> ()
    "tpu.region"() ({
      %run_scoped3A = tpu.sem_alloc : memref<!tpu.dma_semaphore, #tpu.memory_space<semaphore_mem>>
      tpu.enqueue_dma source(%arg5 : memref<4096xi32, #tpu.memory_space<hbm>>) target(%arg13 : memref<4096xi32, #tpu.memory_space<vmem>>) target_semaphore(%run_scoped3A : memref<!tpu.dma_semaphore, #tpu.memory_space<semaphore_mem>>)
      tpu.wait_dma2 semaphore(%run_scoped3A : memref<!tpu.dma_semaphore, #tpu.memory_space<semaphore_mem>>) src(%arg5 : memref<4096xi32, #tpu.memory_space<hbm>>) dst(%arg13 : memref<4096xi32, #tpu.memory_space<vmem>>)
      tpu.yield
    }) : () -> ()
    "tpu.region"() ({
      %run_scoped3A = tpu.sem_alloc : memref<!tpu.dma_semaphore, #tpu.memory_space<semaphore_mem>>
      tpu.enqueue_dma source(%arg6 : memref<128xi32, #tpu.memory_space<hbm>>) target(%arg14 : memref<128xi32, #tpu.memory_space<vmem>>) target_semaphore(%run_scoped3A : memref<!tpu.dma_semaphore, #tpu.memory_space<semaphore_mem>>)
      tpu.wait_dma2 semaphore(%run_scoped3A : memref<!tpu.dma_semaphore, #tpu.memory_space<semaphore_mem>>) src(%arg6 : memref<128xi32, #tpu.memory_space<hbm>>) dst(%arg14 : memref<128xi32, #tpu.memory_space<vmem>>)
      tpu.yield
    }) : () -> ()
    %iota3A = tpu.iota {dimensions = array<i32: 0>} : vector<16xi32>
    %broadcast_in_dim3A = arith.constant -1.000000e+00 : f32
    %broadcast_in_dim3A_1 = vector.broadcast %broadcast_in_dim3A : f32 to vector<16xf32>
    %swap3A = arith.constant 0 : index
    %swap3A_2 = tpu.vector_load %arg18[%swap3A] {strides = array<i32>} : memref<64xf32, #tpu.memory_space<vmem>>, vector<16xf32>,
    tpu.vector_store %arg18[%swap3A], %broadcast_in_dim3A_1 {strides = array<i32>} : memref<64xf32, #tpu.memory_space<vmem>>, vector<16xf32>,
    %broadcast_in_dim3A_3 = arith.constant -3.000000e+00 : f32
    %broadcast_in_dim3A_4 = vector.broadcast %broadcast_in_dim3A_3 : f32 to vector<16xf32>
    %swap3A_5 = arith.constant 48 : index
    %swap3A_6 = tpu.vector_load %arg18[%swap3A_5] {strides = array<i32>} : memref<64xf32, #tpu.memory_space<vmem>>, vector<16xf32>,
    tpu.vector_store %arg18[%swap3A_5], %broadcast_in_dim3A_4 {strides = array<i32>} : memref<64xf32, #tpu.memory_space<vmem>>, vector<16xf32>,
    %broadcast_in_dim3A_7 = arith.constant 0 : i32
    %broadcast_in_dim3A_8 = vector.broadcast %broadcast_in_dim3A_7 : i32 to vector<16xi32>
    %swap3A_9 = arith.constant 0 : index
    %swap3A_10 = tpu.vector_load %arg19[%swap3A_9] {strides = array<i32>} : memref<64xi32, #tpu.memory_space<vmem>>, vector<16xi32>,
    tpu.vector_store %arg19[%swap3A_9], %broadcast_in_dim3A_8 {strides = array<i32>} : memref<64xi32, #tpu.memory_space<vmem>>, vector<16xi32>,
    %broadcast_in_dim3A_11 = arith.constant 0 : i32
    %broadcast_in_dim3A_12 = vector.broadcast %broadcast_in_dim3A_11 : i32 to vector<16xi32>
    %swap3A_13 = arith.constant 48 : index
    %swap3A_14 = tpu.vector_load %arg19[%swap3A_13] {strides = array<i32>} : memref<64xi32, #tpu.memory_space<vmem>>, vector<16xi32>,
    tpu.vector_store %arg19[%swap3A_13], %broadcast_in_dim3A_12 {strides = array<i32>} : memref<64xi32, #tpu.memory_space<vmem>>, vector<16xi32>,
    %scan3A = arith.constant 0 : i32
    %scan3A_15 = arith.constant 0 : i32
    %scan3A_16 = arith.constant 64 : i32
    %scan3A_17 = arith.addi %scan3A_15, %scan3A_16 : i32
    %scan3A_18 = arith.constant 1 : i32
    %scan3A_19 = scf.for %scan3A_23 = %scan3A_15 to %scan3A_17 step %scan3A_18 iter_args(%scan3A_24 = %scan3A) -> (i32)  : i32 {
      %mul3A_25 = arith.constant 128 : i32
      %mul3A_26 = arith.muli %add3A, %mul3A_25 : i32
      %mul3A_27 = arith.constant 2 : i32
      %mul3A_28 = arith.muli %scan3A_23, %mul3A_27 : i32
      %add3A_29 = arith.addi %mul3A_26, %mul3A_28 : i32
      %add3A_30 = arith.constant 0 : i32
      %add3A_31 = arith.addi %add3A_29, %add3A_30 : i32
      %broadcast_in_dim3A_32 = vector.broadcast %add3A_31 : i32 to vector<16xi32>
      %gather3A = tpu.vector_load_idx %arg10[%broadcast_in_dim3A_32] : memref<4096xf32, #tpu.memory_space<vmem>>[vector<16xi32>], vector<16xf32>,
      %gather3A_33 = tpu.vector_load_idx %arg11[%broadcast_in_dim3A_32] : memref<4096xf32, #tpu.memory_space<vmem>>[vector<16xi32>], vector<16xf32>,
      %gather3A_34 = tpu.vector_load_idx %arg12[%broadcast_in_dim3A_32] : memref<4096xf32, #tpu.memory_space<vmem>>[vector<16xi32>], vector<16xf32>,
      %gather3A_35 = tpu.vector_load_idx %arg13[%broadcast_in_dim3A_32] : memref<4096xi32, #tpu.memory_space<vmem>>[vector<16xi32>], vector<16xi32>,
      %mul3A_36 = arith.mulf %gather3A, %gather3A : vector<16xf32>
      %mul3A_37 = arith.mulf %gather3A_33, %gather3A_33 : vector<16xf32>
      %add3A_38 = arith.addf %mul3A_36, %mul3A_37 : vector<16xf32>
      %mul3A_39 = arith.mulf %gather3A_34, %gather3A_34 : vector<16xf32>
      %add3A_40 = arith.addf %add3A_38, %mul3A_39 : vector<16xf32>
      %gather3A_41 = tpu.vector_load_idx %arg14[%gather3A_35] : memref<128xi32, #tpu.memory_space<vmem>>[vector<16xi32>], vector<16xi32>,
      %reduce_max3A = arith.constant true
      %reduce_max3A_42 = vector.broadcast %reduce_max3A : i1 to vector<16xi1>
      %reduce_max3A_43 = arith.constant -2147483648 : i32
      %reduce_max3A_44 = vector.broadcast %reduce_max3A_43 : i32 to vector<16xi32>
      %reduce_max3A_45 = arith.xori %gather3A_41, %reduce_max3A_44 : vector<16xi32>
      %reduce_max3A_46 = tpu.scan <max>, %reduce_max3A_45 masked %reduce_max3A_42 : vector<16xi32>, vector<16xi1> -> vector<16xi32>
      %reduce_max3A_47 = arith.xori %reduce_max3A_46, %reduce_max3A_44 : vector<16xi32>
      %reduce_max3A_48 = vector.extract %reduce_max3A_47[15] : i32 from vector<16xi32>
      %add3A_49 = arith.constant 1 : i32
      %add3A_50 = vector.broadcast %add3A_49 : i32 to vector<16xi32>
      %add3A_51 = arith.addi %gather3A_35, %add3A_50 : vector<16xi32>
      %gather3A_52 = tpu.vector_load_idx %arg14[%add3A_51] : memref<128xi32, #tpu.memory_space<vmem>>[vector<16xi32>], vector<16xi32>,
      %reduce_max3A_53 = arith.constant true
      %reduce_max3A_54 = vector.broadcast %reduce_max3A_53 : i1 to vector<16xi1>
      %reduce_max3A_55 = arith.constant -2147483648 : i32
      %reduce_max3A_56 = vector.broadcast %reduce_max3A_55 : i32 to vector<16xi32>
      %reduce_max3A_57 = arith.xori %gather3A_52, %reduce_max3A_56 : vector<16xi32>
      %reduce_max3A_58 = tpu.scan <max>, %reduce_max3A_57 masked %reduce_max3A_54 : vector<16xi32>, vector<16xi1> -> vector<16xi32>
      %reduce_max3A_59 = arith.xori %reduce_max3A_58, %reduce_max3A_56 : vector<16xi32>
      %reduce_max3A_60 = vector.extract %reduce_max3A_59[15] : i32 from vector<16xi32>
      %bitcast3A = vector.bitcast %gather3A : vector<16xf32> to vector<16xi32>
      %add3A_61 = arith.constant 32767 : i32
      %add3A_62 = vector.broadcast %add3A_61 : i32 to vector<16xi32>
      %add3A_63 = arith.addi %bitcast3A, %add3A_62 : vector<16xi32>
      %shift_right_arithmetic3A = arith.constant 16 : i32
      %shift_right_arithmetic3A_64 = vector.broadcast %shift_right_arithmetic3A : i32 to vector<16xi32>
      %shift_right_arithmetic3A_65 = arith.shrsi %bitcast3A, %shift_right_arithmetic3A_64 : vector<16xi32>
      %and3A = arith.constant 1 : i32
      %and3A_66 = vector.broadcast %and3A : i32 to vector<16xi32>
      %and3A_67 = arith.andi %shift_right_arithmetic3A_65, %and3A_66 : vector<16xi32>
      %add3A_68 = arith.addi %add3A_63, %and3A_67 : vector<16xi32>
      %and3A_69 = arith.constant -65536 : i32
      %and3A_70 = vector.broadcast %and3A_69 : i32 to vector<16xi32>
      %and3A_71 = arith.andi %add3A_68, %and3A_70 : vector<16xi32>
      %bitcast3A_72 = vector.bitcast %and3A_71 : vector<16xi32> to vector<16xf32>
      %bitcast3A_73 = vector.bitcast %gather3A_33 : vector<16xf32> to vector<16xi32>
      %add3A_74 = arith.constant 32767 : i32
      %add3A_75 = vector.broadcast %add3A_74 : i32 to vector<16xi32>
      %add3A_76 = arith.addi %bitcast3A_73, %add3A_75 : vector<16xi32>
      %shift_right_arithmetic3A_77 = arith.constant 16 : i32
      %shift_right_arithmetic3A_78 = vector.broadcast %shift_right_arithmetic3A_77 : i32 to vector<16xi32>
      %shift_right_arithmetic3A_79 = arith.shrsi %bitcast3A_73, %shift_right_arithmetic3A_78 : vector<16xi32>
      %and3A_80 = arith.constant 1 : i32
      %and3A_81 = vector.broadcast %and3A_80 : i32 to vector<16xi32>
      %and3A_82 = arith.andi %shift_right_arithmetic3A_79, %and3A_81 : vector<16xi32>
      %add3A_83 = arith.addi %add3A_76, %and3A_82 : vector<16xi32>
      %and3A_84 = arith.constant -65536 : i32
      %and3A_85 = vector.broadcast %and3A_84 : i32 to vector<16xi32>
      %and3A_86 = arith.andi %add3A_83, %and3A_85 : vector<16xi32>
      %bitcast3A_87 = vector.bitcast %and3A_86 : vector<16xi32> to vector<16xf32>
      %bitcast3A_88 = vector.bitcast %gather3A_34 : vector<16xf32> to vector<16xi32>
      %add3A_89 = arith.constant 32767 : i32
      %add3A_90 = vector.broadcast %add3A_89 : i32 to vector<16xi32>
      %add3A_91 = arith.addi %bitcast3A_88, %add3A_90 : vector<16xi32>
      %shift_right_arithmetic3A_92 = arith.constant 16 : i32
      %shift_right_arithmetic3A_93 = vector.broadcast %shift_right_arithmetic3A_92 : i32 to vector<16xi32>
      %shift_right_arithmetic3A_94 = arith.shrsi %bitcast3A_88, %shift_right_arithmetic3A_93 : vector<16xi32>
      %and3A_95 = arith.constant 1 : i32
      %and3A_96 = vector.broadcast %and3A_95 : i32 to vector<16xi32>
      %and3A_97 = arith.andi %shift_right_arithmetic3A_94, %and3A_96 : vector<16xi32>
      %add3A_98 = arith.addi %add3A_91, %and3A_97 : vector<16xi32>
      %and3A_99 = arith.constant -65536 : i32
      %and3A_100 = vector.broadcast %and3A_99 : i32 to vector<16xi32>
      %and3A_101 = arith.andi %add3A_98, %and3A_100 : vector<16xi32>
      %bitcast3A_102 = vector.bitcast %and3A_101 : vector<16xi32> to vector<16xf32>
      %mul3A_103 = arith.constant 128 : i32
      %mul3A_104 = arith.muli %add3A, %mul3A_103 : i32
      %mul3A_105 = arith.constant 2 : i32
      %mul3A_106 = arith.muli %scan3A_23, %mul3A_105 : i32
      %add3A_107 = arith.addi %mul3A_104, %mul3A_106 : i32
      %add3A_108 = arith.constant 1 : i32
      %add3A_109 = arith.addi %add3A_107, %add3A_108 : i32
      %broadcast_in_dim3A_110 = vector.broadcast %add3A_109 : i32 to vector<16xi32>
      %gather3A_111 = tpu.vector_load_idx %arg10[%broadcast_in_dim3A_110] : memref<4096xf32, #tpu.memory_space<vmem>>[vector<16xi32>], vector<16xf32>,
      %gather3A_112 = tpu.vector_load_idx %arg11[%broadcast_in_dim3A_110] : memref<4096xf32, #tpu.memory_space<vmem>>[vector<16xi32>], vector<16xf32>,
      %gather3A_113 = tpu.vector_load_idx %arg12[%broadcast_in_dim3A_110] : memref<4096xf32, #tpu.memory_space<vmem>>[vector<16xi32>], vector<16xf32>,
      %gather3A_114 = tpu.vector_load_idx %arg13[%broadcast_in_dim3A_110] : memref<4096xi32, #tpu.memory_space<vmem>>[vector<16xi32>], vector<16xi32>,
      %mul3A_115 = arith.mulf %gather3A_111, %gather3A_111 : vector<16xf32>
      %mul3A_116 = arith.mulf %gather3A_112, %gather3A_112 : vector<16xf32>
      %add3A_117 = arith.addf %mul3A_115, %mul3A_116 : vector<16xf32>
      %mul3A_118 = arith.mulf %gather3A_113, %gather3A_113 : vector<16xf32>
      %add3A_119 = arith.addf %add3A_117, %mul3A_118 : vector<16xf32>
      %gather3A_120 = tpu.vector_load_idx %arg14[%gather3A_114] : memref<128xi32, #tpu.memory_space<vmem>>[vector<16xi32>], vector<16xi32>,
      %reduce_max3A_121 = arith.constant true
      %reduce_max3A_122 = vector.broadcast %reduce_max3A_121 : i1 to vector<16xi1>
      %reduce_max3A_123 = arith.constant -2147483648 : i32
      %reduce_max3A_124 = vector.broadcast %reduce_max3A_123 : i32 to vector<16xi32>
      %reduce_max3A_125 = arith.xori %gather3A_120, %reduce_max3A_124 : vector<16xi32>
      %reduce_max3A_126 = tpu.scan <max>, %reduce_max3A_125 masked %reduce_max3A_122 : vector<16xi32>, vector<16xi1> -> vector<16xi32>
      %reduce_max3A_127 = arith.xori %reduce_max3A_126, %reduce_max3A_124 : vector<16xi32>
      %reduce_max3A_128 = vector.extract %reduce_max3A_127[15] : i32 from vector<16xi32>
      %add3A_129 = arith.constant 1 : i32
      %add3A_130 = vector.broadcast %add3A_129 : i32 to vector<16xi32>
      %add3A_131 = arith.addi %gather3A_114, %add3A_130 : vector<16xi32>
      %gather3A_132 = tpu.vector_load_idx %arg14[%add3A_131] : memref<128xi32, #tpu.memory_space<vmem>>[vector<16xi32>], vector<16xi32>,
      %reduce_max3A_133 = arith.constant true
      %reduce_max3A_134 = vector.broadcast %reduce_max3A_133 : i1 to vector<16xi1>
      %reduce_max3A_135 = arith.constant -2147483648 : i32
      %reduce_max3A_136 = vector.broadcast %reduce_max3A_135 : i32 to vector<16xi32>
      %reduce_max3A_137 = arith.xori %gather3A_132, %reduce_max3A_136 : vector<16xi32>
      %reduce_max3A_138 = tpu.scan <max>, %reduce_max3A_137 masked %reduce_max3A_134 : vector<16xi32>, vector<16xi1> -> vector<16xi32>
      %reduce_max3A_139 = arith.xori %reduce_max3A_138, %reduce_max3A_136 : vector<16xi32>
      %reduce_max3A_140 = vector.extract %reduce_max3A_139[15] : i32 from vector<16xi32>
      %bitcast3A_141 = vector.bitcast %gather3A_111 : vector<16xf32> to vector<16xi32>
      %add3A_142 = arith.constant 32767 : i32
      %add3A_143 = vector.broadcast %add3A_142 : i32 to vector<16xi32>
      %add3A_144 = arith.addi %bitcast3A_141, %add3A_143 : vector<16xi32>
      %shift_right_arithmetic3A_145 = arith.constant 16 : i32
      %shift_right_arithmetic3A_146 = vector.broadcast %shift_right_arithmetic3A_145 : i32 to vector<16xi32>
      %shift_right_arithmetic3A_147 = arith.shrsi %bitcast3A_141, %shift_right_arithmetic3A_146 : vector<16xi32>
      %and3A_148 = arith.constant 1 : i32
      %and3A_149 = vector.broadcast %and3A_148 : i32 to vector<16xi32>
      %and3A_150 = arith.andi %shift_right_arithmetic3A_147, %and3A_149 : vector<16xi32>
      %add3A_151 = arith.addi %add3A_144, %and3A_150 : vector<16xi32>
      %and3A_152 = arith.constant -65536 : i32
      %and3A_153 = vector.broadcast %and3A_152 : i32 to vector<16xi32>
      %and3A_154 = arith.andi %add3A_151, %and3A_153 : vector<16xi32>
      %bitcast3A_155 = vector.bitcast %and3A_154 : vector<16xi32> to vector<16xf32>
      %bitcast3A_156 = vector.bitcast %gather3A_112 : vector<16xf32> to vector<16xi32>
      %add3A_157 = arith.constant 32767 : i32
      %add3A_158 = vector.broadcast %add3A_157 : i32 to vector<16xi32>
      %add3A_159 = arith.addi %bitcast3A_156, %add3A_158 : vector<16xi32>
      %shift_right_arithmetic3A_160 = arith.constant 16 : i32
      %shift_right_arithmetic3A_161 = vector.broadcast %shift_right_arithmetic3A_160 : i32 to vector<16xi32>
      %shift_right_arithmetic3A_162 = arith.shrsi %bitcast3A_156, %shift_right_arithmetic3A_161 : vector<16xi32>
      %and3A_163 = arith.constant 1 : i32
      %and3A_164 = vector.broadcast %and3A_163 : i32 to vector<16xi32>
      %and3A_165 = arith.andi %shift_right_arithmetic3A_162, %and3A_164 : vector<16xi32>
      %add3A_166 = arith.addi %add3A_159, %and3A_165 : vector<16xi32>
      %and3A_167 = arith.constant -65536 : i32
      %and3A_168 = vector.broadcast %and3A_167 : i32 to vector<16xi32>
      %and3A_169 = arith.andi %add3A_166, %and3A_168 : vector<16xi32>
      %bitcast3A_170 = vector.bitcast %and3A_169 : vector<16xi32> to vector<16xf32>
      %bitcast3A_171 = vector.bitcast %gather3A_113 : vector<16xf32> to vector<16xi32>
      %add3A_172 = arith.constant 32767 : i32
      %add3A_173 = vector.broadcast %add3A_172 : i32 to vector<16xi32>
      %add3A_174 = arith.addi %bitcast3A_171, %add3A_173 : vector<16xi32>
      %shift_right_arithmetic3A_175 = arith.constant 16 : i32
      %shift_right_arithmetic3A_176 = vector.broadcast %shift_right_arithmetic3A_175 : i32 to vector<16xi32>
      %shift_right_arithmetic3A_177 = arith.shrsi %bitcast3A_171, %shift_right_arithmetic3A_176 : vector<16xi32>
      %and3A_178 = arith.constant 1 : i32
      %and3A_179 = vector.broadcast %and3A_178 : i32 to vector<16xi32>
      %and3A_180 = arith.andi %shift_right_arithmetic3A_177, %and3A_179 : vector<16xi32>
      %add3A_181 = arith.addi %add3A_174, %and3A_180 : vector<16xi32>
      %and3A_182 = arith.constant -65536 : i32
      %and3A_183 = vector.broadcast %and3A_182 : i32 to vector<16xi32>
      %and3A_184 = arith.andi %add3A_181, %and3A_183 : vector<16xi32>
      %bitcast3A_185 = vector.bitcast %and3A_184 : vector<16xi32> to vector<16xf32>
      %min3A = arith.minsi %reduce_max3A_48, %reduce_max3A_128 : i32
      %shift_right_arithmetic3A_186 = arith.constant 4 : i32
      %shift_right_arithmetic3A_187 = arith.shrsi %min3A, %shift_right_arithmetic3A_186 : i32
      %max3A = arith.maxsi %reduce_max3A_60, %reduce_max3A_140 : i32
      %add3A_188 = arith.constant 15 : i32
      %add3A_189 = arith.addi %max3A, %add3A_188 : i32
      %shift_right_arithmetic3A_190 = arith.constant 4 : i32
      %shift_right_arithmetic3A_191 = arith.shrsi %add3A_189, %shift_right_arithmetic3A_190 : i32
      %broadcast_in_dim3A_192 = arith.constant 9.99999984E+17 : f32
      %broadcast_in_dim3A_193 = vector.broadcast %broadcast_in_dim3A_192 : f32 to vector<16xf32>
      %while3A = arith.subi %shift_right_arithmetic3A_191, %shift_right_arithmetic3A_187 : i32
      %while3A_194 = arith.addi %shift_right_arithmetic3A_187, %while3A : i32
      %while3A_195 = arith.constant 1 : i32
      %while3A_196 = arith.divsi %while3A, %while3A_195 : i32
      %while3A_197 = arith.muli %while3A_196, %while3A_195 : i32
      %while3A_198 = arith.addi %shift_right_arithmetic3A_187, %while3A_197 : i32
      %while3A_199 = arith.constant 1 : i32
      %while3A_200:8 = scf.for %while3A_777 = %shift_right_arithmetic3A_187 to %while3A_198 step %while3A_199 iter_args(%while3A_778 = %broadcast_in_dim3A_193, %while3A_779 = %broadcast_in_dim3A_32, %while3A_780 = %broadcast_in_dim3A_193, %while3A_781 = %broadcast_in_dim3A_32, %while3A_782 = %broadcast_in_dim3A_193, %while3A_783 = %broadcast_in_dim3A_110, %while3A_784 = %broadcast_in_dim3A_193, %while3A_785 = %broadcast_in_dim3A_110) -> (vector<16xf32>, vector<16xi32>, vector<16xf32>, vector<16xi32>, vector<16xf32>, vector<16xi32>, vector<16xf32>, vector<16xi32>)  : i32 {
        %mul3A_786 = arith.constant 16 : i32
        %mul3A_787 = arith.muli %while3A_777, %mul3A_786 : i32
        %get3A_788 = arith.index_cast %mul3A_787 : i32 to index
        %get3A_789 = tpu.vector_load %arg10[%get3A_788] {strides = array<i32>} : memref<4096xf32, #tpu.memory_space<vmem>>, vector<16xf32>,
        %get3A_790 = arith.index_cast %mul3A_787 : i32 to index
        %get3A_791 = tpu.vector_load %arg11[%get3A_790] {strides = array<i32>} : memref<4096xf32, #tpu.memory_space<vmem>>, vector<16xf32>,
        %get3A_792 = arith.index_cast %mul3A_787 : i32 to index
        %get3A_793 = tpu.vector_load %arg12[%get3A_792] {strides = array<i32>} : memref<4096xf32, #tpu.memory_space<vmem>>, vector<16xf32>,
        %get3A_794 = arith.index_cast %mul3A_787 : i32 to index
        %get3A_795 = tpu.vector_load %arg13[%get3A_794] {strides = array<i32>} : memref<4096xi32, #tpu.memory_space<vmem>>, vector<16xi32>,
        %mul3A_796 = arith.mulf %get3A_789, %get3A_789 : vector<16xf32>
        %mul3A_797 = arith.mulf %get3A_791, %get3A_791 : vector<16xf32>
        %add3A_798 = arith.addf %mul3A_796, %mul3A_797 : vector<16xf32>
        %mul3A_799 = arith.mulf %get3A_793, %get3A_793 : vector<16xf32>
        %add3A_800 = arith.addf %add3A_798, %mul3A_799 : vector<16xf32>
        %bitcast3A_801 = vector.bitcast %get3A_789 : vector<16xf32> to vector<16xi32>
        %add3A_802 = arith.constant 32767 : i32
        %add3A_803 = vector.broadcast %add3A_802 : i32 to vector<16xi32>
        %add3A_804 = arith.addi %bitcast3A_801, %add3A_803 : vector<16xi32>
        %shift_right_arithmetic3A_805 = arith.constant 16 : i32
        %shift_right_arithmetic3A_806 = vector.broadcast %shift_right_arithmetic3A_805 : i32 to vector<16xi32>
        %shift_right_arithmetic3A_807 = arith.shrsi %bitcast3A_801, %shift_right_arithmetic3A_806 : vector<16xi32>
        %and3A_808 = arith.constant 1 : i32
        %and3A_809 = vector.broadcast %and3A_808 : i32 to vector<16xi32>
        %and3A_810 = arith.andi %shift_right_arithmetic3A_807, %and3A_809 : vector<16xi32>
        %add3A_811 = arith.addi %add3A_804, %and3A_810 : vector<16xi32>
        %and3A_812 = arith.constant -65536 : i32
        %and3A_813 = vector.broadcast %and3A_812 : i32 to vector<16xi32>
        %and3A_814 = arith.andi %add3A_811, %and3A_813 : vector<16xi32>
        %bitcast3A_815 = vector.bitcast %and3A_814 : vector<16xi32> to vector<16xf32>
        %bitcast3A_816 = vector.bitcast %get3A_791 : vector<16xf32> to vector<16xi32>
        %add3A_817 = arith.constant 32767 : i32
        %add3A_818 = vector.broadcast %add3A_817 : i32 to vector<16xi32>
        %add3A_819 = arith.addi %bitcast3A_816, %add3A_818 : vector<16xi32>
        %shift_right_arithmetic3A_820 = arith.constant 16 : i32
        %shift_right_arithmetic3A_821 = vector.broadcast %shift_right_arithmetic3A_820 : i32 to vector<16xi32>
        %shift_right_arithmetic3A_822 = arith.shrsi %bitcast3A_816, %shift_right_arithmetic3A_821 : vector<16xi32>
        %and3A_823 = arith.constant 1 : i32
        %and3A_824 = vector.broadcast %and3A_823 : i32 to vector<16xi32>
        %and3A_825 = arith.andi %shift_right_arithmetic3A_822, %and3A_824 : vector<16xi32>
        %add3A_826 = arith.addi %add3A_819, %and3A_825 : vector<16xi32>
        %and3A_827 = arith.constant -65536 : i32
        %and3A_828 = vector.broadcast %and3A_827 : i32 to vector<16xi32>
        %and3A_829 = arith.andi %add3A_826, %and3A_828 : vector<16xi32>
        %bitcast3A_830 = vector.bitcast %and3A_829 : vector<16xi32> to vector<16xf32>
        %bitcast3A_831 = vector.bitcast %get3A_793 : vector<16xf32> to vector<16xi32>
        %add3A_832 = arith.constant 32767 : i32
        %add3A_833 = vector.broadcast %add3A_832 : i32 to vector<16xi32>
        %add3A_834 = arith.addi %bitcast3A_831, %add3A_833 : vector<16xi32>
        %shift_right_arithmetic3A_835 = arith.constant 16 : i32
        %shift_right_arithmetic3A_836 = vector.broadcast %shift_right_arithmetic3A_835 : i32 to vector<16xi32>
        %shift_right_arithmetic3A_837 = arith.shrsi %bitcast3A_831, %shift_right_arithmetic3A_836 : vector<16xi32>
        %and3A_838 = arith.constant 1 : i32
        %and3A_839 = vector.broadcast %and3A_838 : i32 to vector<16xi32>
        %and3A_840 = arith.andi %shift_right_arithmetic3A_837, %and3A_839 : vector<16xi32>
        %add3A_841 = arith.addi %add3A_834, %and3A_840 : vector<16xi32>
        %and3A_842 = arith.constant -65536 : i32
        %and3A_843 = vector.broadcast %and3A_842 : i32 to vector<16xi32>
        %and3A_844 = arith.andi %add3A_841, %and3A_843 : vector<16xi32>
        %bitcast3A_845 = vector.bitcast %and3A_844 : vector<16xi32> to vector<16xf32>
        %add3A_846 = vector.broadcast %mul3A_787 : i32 to vector<16xi32>
        %add3A_847 = arith.addi %add3A_846, %iota3A : vector<16xi32>
        %mul3A_848 = arith.mulf %bitcast3A_815, %bitcast3A_72 : vector<16xf32>
        %mul3A_849 = arith.mulf %bitcast3A_830, %bitcast3A_87 : vector<16xf32>
        %add3A_850 = arith.addf %mul3A_848, %mul3A_849 : vector<16xf32>
        %mul3A_851 = arith.mulf %bitcast3A_845, %bitcast3A_102 : vector<16xf32>
        %add3A_852 = arith.addf %add3A_850, %mul3A_851 : vector<16xf32>
        %add3A_853 = arith.addf %add3A_800, %add3A_40 : vector<16xf32>
        %mul3A_854 = arith.constant 2.000000e+00 : f32
        %mul3A_855 = vector.broadcast %mul3A_854 : f32 to vector<16xf32>
        %mul3A_856 = arith.mulf %mul3A_855, %add3A_852 : vector<16xf32>
        %sub3A_857 = arith.subf %add3A_853, %mul3A_856 : vector<16xf32>
        %max3A_858 = arith.constant 0.000000e+00 : f32
        %max3A_859 = vector.broadcast %max3A_858 : f32 to vector<16xf32>
        %max3A_860 = arith.maximumf %sub3A_857, %max3A_859 : vector<16xf32>
        %eq3A_861 = arith.cmpi eq, %get3A_795, %gather3A_35 : vector<16xi32>
        %le3A = arith.constant 2.500000e+01 : f32
        %le3A_862 = vector.broadcast %le3A : f32 to vector<16xf32>
        %le3A_863 = arith.cmpf ole, %max3A_860, %le3A_862 : vector<16xf32>
        %and3A_864 = arith.andi %eq3A_861, %le3A_863 : vector<16xi1>
        %jit3A_865 = arith.constant 3.000000e+30 : f32
        %broadcast_in_dim3A_866 = vector.broadcast %jit3A_865 : f32 to vector<16xf32>
        %select_n3A_867 = arith.select %and3A_864, %max3A_860, %broadcast_in_dim3A_866 : vector<16xi1>, vector<16xf32>
        %masked_sort3A = arith.constant dense<true> : vector<16xi1>
        %masked_sort3A_868, %masked_sort3A_869, %masked_sort3A_870 = tpu.sort %select_n3A_867, %add3A_847 masked %masked_sort3A : (vector<16xf32>, vector<16xi32>, vector<16xi1>) -> (vector<16xi1>, vector<16xf32>, vector<16xi32>)
        %rev3A = arith.constant 15 : i32
        %rev3A_871 = vector.broadcast %rev3A : i32 to vector<16xi32>
        %rev3A_872 = tpu.iota {dimensions = array<i32: 0>} : vector<16xi32>
        %rev3A_873 = arith.subi %rev3A_871, %rev3A_872 : vector<16xi32>
        %rev3A_874 = tpu.dynamic_gather %masked_sort3A_869[%rev3A_873] in [0] : vector<16xf32>, vector<16xi32> -> vector<16xf32>
        %rev3A_875 = arith.constant 15 : i32
        %rev3A_876 = vector.broadcast %rev3A_875 : i32 to vector<16xi32>
        %rev3A_877 = tpu.iota {dimensions = array<i32: 0>} : vector<16xi32>
        %rev3A_878 = arith.subi %rev3A_876, %rev3A_877 : vector<16xi32>
        %rev3A_879 = tpu.dynamic_gather %masked_sort3A_870[%rev3A_878] in [0] : vector<16xi32>, vector<16xi32> -> vector<16xi32>
        %le3A_880 = arith.cmpf ole, %while3A_778, %rev3A_874 : vector<16xf32>
        %select_n3A_881 = arith.select %le3A_880, %while3A_778, %rev3A_874 : vector<16xi1>, vector<16xf32>
        %select_n3A_882 = arith.select %le3A_880, %while3A_779, %rev3A_879 : vector<16xi1>, vector<16xi32>
        %select_n3A_883 = arith.select %le3A_880, %rev3A_874, %while3A_778 : vector<16xi1>, vector<16xf32>
        %select_n3A_884 = arith.select %le3A_880, %rev3A_879, %while3A_779 : vector<16xi1>, vector<16xi32>
        %masked_sort3A_885 = arith.constant dense<true> : vector<16xi1>
        %masked_sort3A_886, %masked_sort3A_887, %masked_sort3A_888 = tpu.sort %select_n3A_881, %select_n3A_882 masked %masked_sort3A_885 : (vector<16xf32>, vector<16xi32>, vector<16xi1>) -> (vector<16xi1>, vector<16xf32>, vector<16xi32>)
        %masked_sort3A_889 = arith.constant dense<true> : vector<16xi1>
        %masked_sort3A_890, %masked_sort3A_891, %masked_sort3A_892 = tpu.sort %select_n3A_883, %select_n3A_884 masked %masked_sort3A_889 : (vector<16xf32>, vector<16xi32>, vector<16xi1>) -> (vector<16xi1>, vector<16xf32>, vector<16xi32>)
        %rev3A_893 = arith.constant 15 : i32
        %rev3A_894 = vector.broadcast %rev3A_893 : i32 to vector<16xi32>
        %rev3A_895 = tpu.iota {dimensions = array<i32: 0>} : vector<16xi32>
        %rev3A_896 = arith.subi %rev3A_894, %rev3A_895 : vector<16xi32>
        %rev3A_897 = tpu.dynamic_gather %masked_sort3A_891[%rev3A_896] in [0] : vector<16xf32>, vector<16xi32> -> vector<16xf32>
        %rev3A_898 = arith.constant 15 : i32
        %rev3A_899 = vector.broadcast %rev3A_898 : i32 to vector<16xi32>
        %rev3A_900 = tpu.iota {dimensions = array<i32: 0>} : vector<16xi32>
        %rev3A_901 = arith.subi %rev3A_899, %rev3A_900 : vector<16xi32>
        %rev3A_902 = tpu.dynamic_gather %masked_sort3A_892[%rev3A_901] in [0] : vector<16xi32>, vector<16xi32> -> vector<16xi32>
        %le3A_903 = arith.cmpf ole, %while3A_780, %rev3A_897 : vector<16xf32>
        %select_n3A_904 = arith.select %le3A_903, %while3A_780, %rev3A_897 : vector<16xi1>, vector<16xf32>
        %select_n3A_905 = arith.select %le3A_903, %while3A_781, %rev3A_902 : vector<16xi1>, vector<16xi32>
        %select_n3A_906 = arith.select %le3A_903, %rev3A_897, %while3A_780 : vector<16xi1>, vector<16xf32>
        %select_n3A_907 = arith.select %le3A_903, %rev3A_902, %while3A_781 : vector<16xi1>, vector<16xi32>
        %masked_sort3A_908 = arith.constant dense<true> : vector<16xi1>
        %masked_sort3A_909, %masked_sort3A_910, %masked_sort3A_911 = tpu.sort %select_n3A_904, %select_n3A_905 masked %masked_sort3A_908 : (vector<16xf32>, vector<16xi32>, vector<16xi1>) -> (vector<16xi1>, vector<16xf32>, vector<16xi32>)
        %masked_sort3A_912 = arith.constant dense<true> : vector<16xi1>
        %masked_sort3A_913, %masked_sort3A_914, %masked_sort3A_915 = tpu.sort %select_n3A_906, %select_n3A_907 masked %masked_sort3A_912 : (vector<16xf32>, vector<16xi32>, vector<16xi1>) -> (vector<16xi1>, vector<16xf32>, vector<16xi32>)
        %mul3A_916 = arith.mulf %bitcast3A_815, %bitcast3A_155 : vector<16xf32>
        %mul3A_917 = arith.mulf %bitcast3A_830, %bitcast3A_170 : vector<16xf32>
        %add3A_918 = arith.addf %mul3A_916, %mul3A_917 : vector<16xf32>
        %mul3A_919 = arith.mulf %bitcast3A_845, %bitcast3A_185 : vector<16xf32>
        %add3A_920 = arith.addf %add3A_918, %mul3A_919 : vector<16xf32>
        %add3A_921 = arith.addf %add3A_800, %add3A_119 : vector<16xf32>
        %mul3A_922 = arith.constant 2.000000e+00 : f32
        %mul3A_923 = vector.broadcast %mul3A_922 : f32 to vector<16xf32>
        %mul3A_924 = arith.mulf %mul3A_923, %add3A_920 : vector<16xf32>
        %sub3A_925 = arith.subf %add3A_921, %mul3A_924 : vector<16xf32>
        %max3A_926 = arith.constant 0.000000e+00 : f32
        %max3A_927 = vector.broadcast %max3A_926 : f32 to vector<16xf32>
        %max3A_928 = arith.maximumf %sub3A_925, %max3A_927 : vector<16xf32>
        %eq3A_929 = arith.cmpi eq, %get3A_795, %gather3A_114 : vector<16xi32>
        %le3A_930 = arith.constant 2.500000e+01 : f32
        %le3A_931 = vector.broadcast %le3A_930 : f32 to vector<16xf32>
        %le3A_932 = arith.cmpf ole, %max3A_928, %le3A_931 : vector<16xf32>
        %and3A_933 = arith.andi %eq3A_929, %le3A_932 : vector<16xi1>
        %jit3A_934 = arith.constant 3.000000e+30 : f32
        %broadcast_in_dim3A_935 = vector.broadcast %jit3A_934 : f32 to vector<16xf32>
        %select_n3A_936 = arith.select %and3A_933, %max3A_928, %broadcast_in_dim3A_935 : vector<16xi1>, vector<16xf32>
        %masked_sort3A_937 = arith.constant dense<true> : vector<16xi1>
        %masked_sort3A_938, %masked_sort3A_939, %masked_sort3A_940 = tpu.sort %select_n3A_936, %add3A_847 masked %masked_sort3A_937 : (vector<16xf32>, vector<16xi32>, vector<16xi1>) -> (vector<16xi1>, vector<16xf32>, vector<16xi32>)
        %rev3A_941 = arith.constant 15 : i32
        %rev3A_942 = vector.broadcast %rev3A_941 : i32 to vector<16xi32>
        %rev3A_943 = tpu.iota {dimensions = array<i32: 0>} : vector<16xi32>
        %rev3A_944 = arith.subi %rev3A_942, %rev3A_943 : vector<16xi32>
        %rev3A_945 = tpu.dynamic_gather %masked_sort3A_939[%rev3A_944] in [0] : vector<16xf32>, vector<16xi32> -> vector<16xf32>
        %rev3A_946 = arith.constant 15 : i32
        %rev3A_947 = vector.broadcast %rev3A_946 : i32 to vector<16xi32>
        %rev3A_948 = tpu.iota {dimensions = array<i32: 0>} : vector<16xi32>
        %rev3A_949 = arith.subi %rev3A_947, %rev3A_948 : vector<16xi32>
        %rev3A_950 = tpu.dynamic_gather %masked_sort3A_940[%rev3A_949] in [0] : vector<16xi32>, vector<16xi32> -> vector<16xi32>
        %le3A_951 = arith.cmpf ole, %while3A_782, %rev3A_945 : vector<16xf32>
        %select_n3A_952 = arith.select %le3A_951, %while3A_782, %rev3A_945 : vector<16xi1>, vector<16xf32>
        %select_n3A_953 = arith.select %le3A_951, %while3A_783, %rev3A_950 : vector<16xi1>, vector<16xi32>
        %select_n3A_954 = arith.select %le3A_951, %rev3A_945, %while3A_782 : vector<16xi1>, vector<16xf32>
        %select_n3A_955 = arith.select %le3A_951, %rev3A_950, %while3A_783 : vector<16xi1>, vector<16xi32>
        %masked_sort3A_956 = arith.constant dense<true> : vector<16xi1>
        %masked_sort3A_957, %masked_sort3A_958, %masked_sort3A_959 = tpu.sort %select_n3A_952, %select_n3A_953 masked %masked_sort3A_956 : (vector<16xf32>, vector<16xi32>, vector<16xi1>) -> (vector<16xi1>, vector<16xf32>, vector<16xi32>)
        %masked_sort3A_960 = arith.constant dense<true> : vector<16xi1>
        %masked_sort3A_961, %masked_sort3A_962, %masked_sort3A_963 = tpu.sort %select_n3A_954, %select_n3A_955 masked %masked_sort3A_960 : (vector<16xf32>, vector<16xi32>, vector<16xi1>) -> (vector<16xi1>, vector<16xf32>, vector<16xi32>)
        %rev3A_964 = arith.constant 15 : i32
        %rev3A_965 = vector.broadcast %rev3A_964 : i32 to vector<16xi32>
        %rev3A_966 = tpu.iota {dimensions = array<i32: 0>} : vector<16xi32>
        %rev3A_967 = arith.subi %rev3A_965, %rev3A_966 : vector<16xi32>
        %rev3A_968 = tpu.dynamic_gather %masked_sort3A_962[%rev3A_967] in [0] : vector<16xf32>, vector<16xi32> -> vector<16xf32>
        %rev3A_969 = arith.constant 15 : i32
        %rev3A_970 = vector.broadcast %rev3A_969 : i32 to vector<16xi32>
        %rev3A_971 = tpu.iota {dimensions = array<i32: 0>} : vector<16xi32>
        %rev3A_972 = arith.subi %rev3A_970, %rev3A_971 : vector<16xi32>
        %rev3A_973 = tpu.dynamic_gather %masked_sort3A_963[%rev3A_972] in [0] : vector<16xi32>, vector<16xi32> -> vector<16xi32>
        %le3A_974 = arith.cmpf ole, %while3A_784, %rev3A_968 : vector<16xf32>
        %select_n3A_975 = arith.select %le3A_974, %while3A_784, %rev3A_968 : vector<16xi1>, vector<16xf32>
        %select_n3A_976 = arith.select %le3A_974, %while3A_785, %rev3A_973 : vector<16xi1>, vector<16xi32>
        %select_n3A_977 = arith.select %le3A_974, %rev3A_968, %while3A_784 : vector<16xi1>, vector<16xf32>
        %select_n3A_978 = arith.select %le3A_974, %rev3A_973, %while3A_785 : vector<16xi1>, vector<16xi32>
        %masked_sort3A_979 = arith.constant dense<true> : vector<16xi1>
        %masked_sort3A_980, %masked_sort3A_981, %masked_sort3A_982 = tpu.sort %select_n3A_975, %select_n3A_976 masked %masked_sort3A_979 : (vector<16xf32>, vector<16xi32>, vector<16xi1>) -> (vector<16xi1>, vector<16xf32>, vector<16xi32>)
        %masked_sort3A_983 = arith.constant dense<true> : vector<16xi1>
        %masked_sort3A_984, %masked_sort3A_985, %masked_sort3A_986 = tpu.sort %select_n3A_977, %select_n3A_978 masked %masked_sort3A_983 : (vector<16xf32>, vector<16xi32>, vector<16xi1>) -> (vector<16xi1>, vector<16xf32>, vector<16xi32>)
        scf.yield %masked_sort3A_887, %masked_sort3A_888, %masked_sort3A_910, %masked_sort3A_911, %masked_sort3A_958, %masked_sort3A_959, %masked_sort3A_981, %masked_sort3A_982 : vector<16xf32>, vector<16xi32>, vector<16xf32>, vector<16xi32>, vector<16xf32>, vector<16xi32>, vector<16xf32>, vector<16xi32>
      }
      %while3A_201 = arith.constant 1 : i32
      %while3A_202:8 = scf.for %while3A_777 = %while3A_198 to %while3A_194 step %while3A_201 iter_args(%while3A_778 = %while3A_200#0, %while3A_779 = %while3A_200#1, %while3A_780 = %while3A_200#2, %while3A_781 = %while3A_200#3, %while3A_782 = %while3A_200#4, %while3A_783 = %while3A_200#5, %while3A_784 = %while3A_200#6, %while3A_785 = %while3A_200#7) -> (vector<16xf32>, vector<16xi32>, vector<16xf32>, vector<16xi32>, vector<16xf32>, vector<16xi32>, vector<16xf32>, vector<16xi32>)  : i32 {
        %mul3A_786 = arith.constant 16 : i32
        %mul3A_787 = arith.muli %while3A_777, %mul3A_786 : i32
        %get3A_788 = arith.index_cast %mul3A_787 : i32 to index
        %get3A_789 = tpu.vector_load %arg10[%get3A_788] {strides = array<i32>} : memref<4096xf32, #tpu.memory_space<vmem>>, vector<16xf32>,
        %get3A_790 = arith.index_cast %mul3A_787 : i32 to index
        %get3A_791 = tpu.vector_load %arg11[%get3A_790] {strides = array<i32>} : memref<4096xf32, #tpu.memory_space<vmem>>, vector<16xf32>,
        %get3A_792 = arith.index_cast %mul3A_787 : i32 to index
        %get3A_793 = tpu.vector_load %arg12[%get3A_792] {strides = array<i32>} : memref<4096xf32, #tpu.memory_space<vmem>>, vector<16xf32>,
        %get3A_794 = arith.index_cast %mul3A_787 : i32 to index
        %get3A_795 = tpu.vector_load %arg13[%get3A_794] {strides = array<i32>} : memref<4096xi32, #tpu.memory_space<vmem>>, vector<16xi32>,
        %mul3A_796 = arith.mulf %get3A_789, %get3A_789 : vector<16xf32>
        %mul3A_797 = arith.mulf %get3A_791, %get3A_791 : vector<16xf32>
        %add3A_798 = arith.addf %mul3A_796, %mul3A_797 : vector<16xf32>
        %mul3A_799 = arith.mulf %get3A_793, %get3A_793 : vector<16xf32>
        %add3A_800 = arith.addf %add3A_798, %mul3A_799 : vector<16xf32>
        %bitcast3A_801 = vector.bitcast %get3A_789 : vector<16xf32> to vector<16xi32>
        %add3A_802 = arith.constant 32767 : i32
        %add3A_803 = vector.broadcast %add3A_802 : i32 to vector<16xi32>
        %add3A_804 = arith.addi %bitcast3A_801, %add3A_803 : vector<16xi32>
        %shift_right_arithmetic3A_805 = arith.constant 16 : i32
        %shift_right_arithmetic3A_806 = vector.broadcast %shift_right_arithmetic3A_805 : i32 to vector<16xi32>
        %shift_right_arithmetic3A_807 = arith.shrsi %bitcast3A_801, %shift_right_arithmetic3A_806 : vector<16xi32>
        %and3A_808 = arith.constant 1 : i32
        %and3A_809 = vector.broadcast %and3A_808 : i32 to vector<16xi32>
        %and3A_810 = arith.andi %shift_right_arithmetic3A_807, %and3A_809 : vector<16xi32>
        %add3A_811 = arith.addi %add3A_804, %and3A_810 : vector<16xi32>
        %and3A_812 = arith.constant -65536 : i32
        %and3A_813 = vector.broadcast %and3A_812 : i32 to vector<16xi32>
        %and3A_814 = arith.andi %add3A_811, %and3A_813 : vector<16xi32>
        %bitcast3A_815 = vector.bitcast %and3A_814 : vector<16xi32> to vector<16xf32>
        %bitcast3A_816 = vector.bitcast %get3A_791 : vector<16xf32> to vector<16xi32>
        %add3A_817 = arith.constant 32767 : i32
        %add3A_818 = vector.broadcast %add3A_817 : i32 to vector<16xi32>
        %add3A_819 = arith.addi %bitcast3A_816, %add3A_818 : vector<16xi32>
        %shift_right_arithmetic3A_820 = arith.constant 16 : i32
        %shift_right_arithmetic3A_821 = vector.broadcast %shift_right_arithmetic3A_820 : i32 to vector<16xi32>
        %shift_right_arithmetic3A_822 = arith.shrsi %bitcast3A_816, %shift_right_arithmetic3A_821 : vector<16xi32>
        %and3A_823 = arith.constant 1 : i32
        %and3A_824 = vector.broadcast %and3A_823 : i32 to vector<16xi32>
        %and3A_825 = arith.andi %shift_right_arithmetic3A_822, %and3A_824 : vector<16xi32>
        %add3A_826 = arith.addi %add3A_819, %and3A_825 : vector<16xi32>
        %and3A_827 = arith.constant -65536 : i32
        %and3A_828 = vector.broadcast %and3A_827 : i32 to vector<16xi32>
        %and3A_829 = arith.andi %add3A_826, %and3A_828 : vector<16xi32>
        %bitcast3A_830 = vector.bitcast %and3A_829 : vector<16xi32> to vector<16xf32>
        %bitcast3A_831 = vector.bitcast %get3A_793 : vector<16xf32> to vector<16xi32>
        %add3A_832 = arith.constant 32767 : i32
        %add3A_833 = vector.broadcast %add3A_832 : i32 to vector<16xi32>
        %add3A_834 = arith.addi %bitcast3A_831, %add3A_833 : vector<16xi32>
        %shift_right_arithmetic3A_835 = arith.constant 16 : i32
        %shift_right_arithmetic3A_836 = vector.broadcast %shift_right_arithmetic3A_835 : i32 to vector<16xi32>
        %shift_right_arithmetic3A_837 = arith.shrsi %bitcast3A_831, %shift_right_arithmetic3A_836 : vector<16xi32>
        %and3A_838 = arith.constant 1 : i32
        %and3A_839 = vector.broadcast %and3A_838 : i32 to vector<16xi32>
        %and3A_840 = arith.andi %shift_right_arithmetic3A_837, %and3A_839 : vector<16xi32>
        %add3A_841 = arith.addi %add3A_834, %and3A_840 : vector<16xi32>
        %and3A_842 = arith.constant -65536 : i32
        %and3A_843 = vector.broadcast %and3A_842 : i32 to vector<16xi32>
        %and3A_844 = arith.andi %add3A_841, %and3A_843 : vector<16xi32>
        %bitcast3A_845 = vector.bitcast %and3A_844 : vector<16xi32> to vector<16xf32>
        %add3A_846 = vector.broadcast %mul3A_787 : i32 to vector<16xi32>
        %add3A_847 = arith.addi %add3A_846, %iota3A : vector<16xi32>
        %mul3A_848 = arith.mulf %bitcast3A_815, %bitcast3A_72 : vector<16xf32>
        %mul3A_849 = arith.mulf %bitcast3A_830, %bitcast3A_87 : vector<16xf32>
        %add3A_850 = arith.addf %mul3A_848, %mul3A_849 : vector<16xf32>
        %mul3A_851 = arith.mulf %bitcast3A_845, %bitcast3A_102 : vector<16xf32>
        %add3A_852 = arith.addf %add3A_850, %mul3A_851 : vector<16xf32>
        %add3A_853 = arith.addf %add3A_800, %add3A_40 : vector<16xf32>
        %mul3A_854 = arith.constant 2.000000e+00 : f32
        %mul3A_855 = vector.broadcast %mul3A_854 : f32 to vector<16xf32>
        %mul3A_856 = arith.mulf %mul3A_855, %add3A_852 : vector<16xf32>
        %sub3A_857 = arith.subf %add3A_853, %mul3A_856 : vector<16xf32>
        %max3A_858 = arith.constant 0.000000e+00 : f32
        %max3A_859 = vector.broadcast %max3A_858 : f32 to vector<16xf32>
        %max3A_860 = arith.maximumf %sub3A_857, %max3A_859 : vector<16xf32>
        %eq3A_861 = arith.cmpi eq, %get3A_795, %gather3A_35 : vector<16xi32>
        %le3A = arith.constant 2.500000e+01 : f32
        %le3A_862 = vector.broadcast %le3A : f32 to vector<16xf32>
        %le3A_863 = arith.cmpf ole, %max3A_860, %le3A_862 : vector<16xf32>
        %and3A_864 = arith.andi %eq3A_861, %le3A_863 : vector<16xi1>
        %jit3A_865 = arith.constant 3.000000e+30 : f32
        %broadcast_in_dim3A_866 = vector.broadcast %jit3A_865 : f32 to vector<16xf32>
        %select_n3A_867 = arith.select %and3A_864, %max3A_860, %broadcast_in_dim3A_866 : vector<16xi1>, vector<16xf32>
        %masked_sort3A = arith.constant dense<true> : vector<16xi1>
        %masked_sort3A_868, %masked_sort3A_869, %masked_sort3A_870 = tpu.sort %select_n3A_867, %add3A_847 masked %masked_sort3A : (vector<16xf32>, vector<16xi32>, vector<16xi1>) -> (vector<16xi1>, vector<16xf32>, vector<16xi32>)
        %rev3A = arith.constant 15 : i32
        %rev3A_871 = vector.broadcast %rev3A : i32 to vector<16xi32>
        %rev3A_872 = tpu.iota {dimensions = array<i32: 0>} : vector<16xi32>
        %rev3A_873 = arith.subi %rev3A_871, %rev3A_872 : vector<16xi32>
        %rev3A_874 = tpu.dynamic_gather %masked_sort3A_869[%rev3A_873] in [0] : vector<16xf32>, vector<16xi32> -> vector<16xf32>
        %rev3A_875 = arith.constant 15 : i32
        %rev3A_876 = vector.broadcast %rev3A_875 : i32 to vector<16xi32>
        %rev3A_877 = tpu.iota {dimensions = array<i32: 0>} : vector<16xi32>
        %rev3A_878 = arith.subi %rev3A_876, %rev3A_877 : vector<16xi32>
        %rev3A_879 = tpu.dynamic_gather %masked_sort3A_870[%rev3A_878] in [0] : vector<16xi32>, vector<16xi32> -> vector<16xi32>
        %le3A_880 = arith.cmpf ole, %while3A_778, %rev3A_874 : vector<16xf32>
        %select_n3A_881 = arith.select %le3A_880, %while3A_778, %rev3A_874 : vector<16xi1>, vector<16xf32>
        %select_n3A_882 = arith.select %le3A_880, %while3A_779, %rev3A_879 : vector<16xi1>, vector<16xi32>
        %select_n3A_883 = arith.select %le3A_880, %rev3A_874, %while3A_778 : vector<16xi1>, vector<16xf32>
        %select_n3A_884 = arith.select %le3A_880, %rev3A_879, %while3A_779 : vector<16xi1>, vector<16xi32>
        %masked_sort3A_885 = arith.constant dense<true> : vector<16xi1>
        %masked_sort3A_886, %masked_sort3A_887, %masked_sort3A_888 = tpu.sort %select_n3A_881, %select_n3A_882 masked %masked_sort3A_885 : (vector<16xf32>, vector<16xi32>, vector<16xi1>) -> (vector<16xi1>, vector<16xf32>, vector<16xi32>)
        %masked_sort3A_889 = arith.constant dense<true> : vector<16xi1>
        %masked_sort3A_890, %masked_sort3A_891, %masked_sort3A_892 = tpu.sort %select_n3A_883, %select_n3A_884 masked %masked_sort3A_889 : (vector<16xf32>, vector<16xi32>, vector<16xi1>) -> (vector<16xi1>, vector<16xf32>, vector<16xi32>)
        %rev3A_893 = arith.constant 15 : i32
        %rev3A_894 = vector.broadcast %rev3A_893 : i32 to vector<16xi32>
        %rev3A_895 = tpu.iota {dimensions = array<i32: 0>} : vector<16xi32>
        %rev3A_896 = arith.subi %rev3A_894, %rev3A_895 : vector<16xi32>
        %rev3A_897 = tpu.dynamic_gather %masked_sort3A_891[%rev3A_896] in [0] : vector<16xf32>, vector<16xi32> -> vector<16xf32>
        %rev3A_898 = arith.constant 15 : i32
        %rev3A_899 = vector.broadcast %rev3A_898 : i32 to vector<16xi32>
        %rev3A_900 = tpu.iota {dimensions = array<i32: 0>} : vector<16xi32>
        %rev3A_901 = arith.subi %rev3A_899, %rev3A_900 : vector<16xi32>
        %rev3A_902 = tpu.dynamic_gather %masked_sort3A_892[%rev3A_901] in [0] : vector<16xi32>, vector<16xi32> -> vector<16xi32>
        %le3A_903 = arith.cmpf ole, %while3A_780, %rev3A_897 : vector<16xf32>
        %select_n3A_904 = arith.select %le3A_903, %while3A_780, %rev3A_897 : vector<16xi1>, vector<16xf32>
        %select_n3A_905 = arith.select %le3A_903, %while3A_781, %rev3A_902 : vector<16xi1>, vector<16xi32>
        %select_n3A_906 = arith.select %le3A_903, %rev3A_897, %while3A_780 : vector<16xi1>, vector<16xf32>
        %select_n3A_907 = arith.select %le3A_903, %rev3A_902, %while3A_781 : vector<16xi1>, vector<16xi32>
        %masked_sort3A_908 = arith.constant dense<true> : vector<16xi1>
        %masked_sort3A_909, %masked_sort3A_910, %masked_sort3A_911 = tpu.sort %select_n3A_904, %select_n3A_905 masked %masked_sort3A_908 : (vector<16xf32>, vector<16xi32>, vector<16xi1>) -> (vector<16xi1>, vector<16xf32>, vector<16xi32>)
        %masked_sort3A_912 = arith.constant dense<true> : vector<16xi1>
        %masked_sort3A_913, %masked_sort3A_914, %masked_sort3A_915 = tpu.sort %select_n3A_906, %select_n3A_907 masked %masked_sort3A_912 : (vector<16xf32>, vector<16xi32>, vector<16xi1>) -> (vector<16xi1>, vector<16xf32>, vector<16xi32>)
        %mul3A_916 = arith.mulf %bitcast3A_815, %bitcast3A_155 : vector<16xf32>
        %mul3A_917 = arith.mulf %bitcast3A_830, %bitcast3A_170 : vector<16xf32>
        %add3A_918 = arith.addf %mul3A_916, %mul3A_917 : vector<16xf32>
        %mul3A_919 = arith.mulf %bitcast3A_845, %bitcast3A_185 : vector<16xf32>
        %add3A_920 = arith.addf %add3A_918, %mul3A_919 : vector<16xf32>
        %add3A_921 = arith.addf %add3A_800, %add3A_119 : vector<16xf32>
        %mul3A_922 = arith.constant 2.000000e+00 : f32
        %mul3A_923 = vector.broadcast %mul3A_922 : f32 to vector<16xf32>
        %mul3A_924 = arith.mulf %mul3A_923, %add3A_920 : vector<16xf32>
        %sub3A_925 = arith.subf %add3A_921, %mul3A_924 : vector<16xf32>
        %max3A_926 = arith.constant 0.000000e+00 : f32
        %max3A_927 = vector.broadcast %max3A_926 : f32 to vector<16xf32>
        %max3A_928 = arith.maximumf %sub3A_925, %max3A_927 : vector<16xf32>
        %eq3A_929 = arith.cmpi eq, %get3A_795, %gather3A_114 : vector<16xi32>
        %le3A_930 = arith.constant 2.500000e+01 : f32
        %le3A_931 = vector.broadcast %le3A_930 : f32 to vector<16xf32>
        %le3A_932 = arith.cmpf ole, %max3A_928, %le3A_931 : vector<16xf32>
        %and3A_933 = arith.andi %eq3A_929, %le3A_932 : vector<16xi1>
        %jit3A_934 = arith.constant 3.000000e+30 : f32
        %broadcast_in_dim3A_935 = vector.broadcast %jit3A_934 : f32 to vector<16xf32>
        %select_n3A_936 = arith.select %and3A_933, %max3A_928, %broadcast_in_dim3A_935 : vector<16xi1>, vector<16xf32>
        %masked_sort3A_937 = arith.constant dense<true> : vector<16xi1>
        %masked_sort3A_938, %masked_sort3A_939, %masked_sort3A_940 = tpu.sort %select_n3A_936, %add3A_847 masked %masked_sort3A_937 : (vector<16xf32>, vector<16xi32>, vector<16xi1>) -> (vector<16xi1>, vector<16xf32>, vector<16xi32>)
        %rev3A_941 = arith.constant 15 : i32
        %rev3A_942 = vector.broadcast %rev3A_941 : i32 to vector<16xi32>
        %rev3A_943 = tpu.iota {dimensions = array<i32: 0>} : vector<16xi32>
        %rev3A_944 = arith.subi %rev3A_942, %rev3A_943 : vector<16xi32>
        %rev3A_945 = tpu.dynamic_gather %masked_sort3A_939[%rev3A_944] in [0] : vector<16xf32>, vector<16xi32> -> vector<16xf32>
        %rev3A_946 = arith.constant 15 : i32
        %rev3A_947 = vector.broadcast %rev3A_946 : i32 to vector<16xi32>
        %rev3A_948 = tpu.iota {dimensions = array<i32: 0>} : vector<16xi32>
        %rev3A_949 = arith.subi %rev3A_947, %rev3A_948 : vector<16xi32>
        %rev3A_950 = tpu.dynamic_gather %masked_sort3A_940[%rev3A_949] in [0] : vector<16xi32>, vector<16xi32> -> vector<16xi32>
        %le3A_951 = arith.cmpf ole, %while3A_782, %rev3A_945 : vector<16xf32>
        %select_n3A_952 = arith.select %le3A_951, %while3A_782, %rev3A_945 : vector<16xi1>, vector<16xf32>
        %select_n3A_953 = arith.select %le3A_951, %while3A_783, %rev3A_950 : vector<16xi1>, vector<16xi32>
        %select_n3A_954 = arith.select %le3A_951, %rev3A_945, %while3A_782 : vector<16xi1>, vector<16xf32>
        %select_n3A_955 = arith.select %le3A_951, %rev3A_950, %while3A_783 : vector<16xi1>, vector<16xi32>
        %masked_sort3A_956 = arith.constant dense<true> : vector<16xi1>
        %masked_sort3A_957, %masked_sort3A_958, %masked_sort3A_959 = tpu.sort %select_n3A_952, %select_n3A_953 masked %masked_sort3A_956 : (vector<16xf32>, vector<16xi32>, vector<16xi1>) -> (vector<16xi1>, vector<16xf32>, vector<16xi32>)
        %masked_sort3A_960 = arith.constant dense<true> : vector<16xi1>
        %masked_sort3A_961, %masked_sort3A_962, %masked_sort3A_963 = tpu.sort %select_n3A_954, %select_n3A_955 masked %masked_sort3A_960 : (vector<16xf32>, vector<16xi32>, vector<16xi1>) -> (vector<16xi1>, vector<16xf32>, vector<16xi32>)
        %rev3A_964 = arith.constant 15 : i32
        %rev3A_965 = vector.broadcast %rev3A_964 : i32 to vector<16xi32>
        %rev3A_966 = tpu.iota {dimensions = array<i32: 0>} : vector<16xi32>
        %rev3A_967 = arith.subi %rev3A_965, %rev3A_966 : vector<16xi32>
        %rev3A_968 = tpu.dynamic_gather %masked_sort3A_962[%rev3A_967] in [0] : vector<16xf32>, vector<16xi32> -> vector<16xf32>
        %rev3A_969 = arith.constant 15 : i32
        %rev3A_970 = vector.broadcast %rev3A_969 : i32 to vector<16xi32>
        %rev3A_971 = tpu.iota {dimensions = array<i32: 0>} : vector<16xi32>
        %rev3A_972 = arith.subi %rev3A_970, %rev3A_971 : vector<16xi32>
        %rev3A_973 = tpu.dynamic_gather %masked_sort3A_963[%rev3A_972] in [0] : vector<16xi32>, vector<16xi32> -> vector<16xi32>
        %le3A_974 = arith.cmpf ole, %while3A_784, %rev3A_968 : vector<16xf32>
        %select_n3A_975 = arith.select %le3A_974, %while3A_784, %rev3A_968 : vector<16xi1>, vector<16xf32>
        %select_n3A_976 = arith.select %le3A_974, %while3A_785, %rev3A_973 : vector<16xi1>, vector<16xi32>
        %select_n3A_977 = arith.select %le3A_974, %rev3A_968, %while3A_784 : vector<16xi1>, vector<16xf32>
        %select_n3A_978 = arith.select %le3A_974, %rev3A_973, %while3A_785 : vector<16xi1>, vector<16xi32>
        %masked_sort3A_979 = arith.constant dense<true> : vector<16xi1>
        %masked_sort3A_980, %masked_sort3A_981, %masked_sort3A_982 = tpu.sort %select_n3A_975, %select_n3A_976 masked %masked_sort3A_979 : (vector<16xf32>, vector<16xi32>, vector<16xi1>) -> (vector<16xi1>, vector<16xf32>, vector<16xi32>)
        %masked_sort3A_983 = arith.constant dense<true> : vector<16xi1>
        %masked_sort3A_984, %masked_sort3A_985, %masked_sort3A_986 = tpu.sort %select_n3A_977, %select_n3A_978 masked %masked_sort3A_983 : (vector<16xf32>, vector<16xi32>, vector<16xi1>) -> (vector<16xi1>, vector<16xf32>, vector<16xi32>)
        scf.yield %masked_sort3A_887, %masked_sort3A_888, %masked_sort3A_910, %masked_sort3A_911, %masked_sort3A_958, %masked_sort3A_959, %masked_sort3A_981, %masked_sort3A_982 : vector<16xf32>, vector<16xi32>, vector<16xf32>, vector<16xi32>, vector<16xf32>, vector<16xi32>, vector<16xf32>, vector<16xi32>
      }
      %swap3A_203 = arith.constant 16 : index
      %swap3A_204 = tpu.vector_load %arg18[%swap3A_203] {strides = array<i32>} : memref<64xf32, #tpu.memory_space<vmem>>, vector<16xf32>,
      tpu.vector_store %arg18[%swap3A_203], %while3A_202#0 {strides = array<i32>} : memref<64xf32, #tpu.memory_space<vmem>>, vector<16xf32>,
      %swap3A_205 = arith.constant 32 : index
      %swap3A_206 = tpu.vector_load %arg18[%swap3A_205] {strides = array<i32>} : memref<64xf32, #tpu.memory_space<vmem>>, vector<16xf32>,
      tpu.vector_store %arg18[%swap3A_205], %while3A_202#2 {strides = array<i32>} : memref<64xf32, #tpu.memory_space<vmem>>, vector<16xf32>,
      %swap3A_207 = arith.constant 16 : index
      %swap3A_208 = tpu.vector_load %arg19[%swap3A_207] {strides = array<i32>} : memref<64xi32, #tpu.memory_space<vmem>>, vector<16xi32>,
      tpu.vector_store %arg19[%swap3A_207], %while3A_202#1 {strides = array<i32>} : memref<64xi32, #tpu.memory_space<vmem>>, vector<16xi32>,
      %swap3A_209 = arith.constant 32 : index
      %swap3A_210 = tpu.vector_load %arg19[%swap3A_209] {strides = array<i32>} : memref<64xi32, #tpu.memory_space<vmem>>, vector<16xi32>,
      tpu.vector_store %arg19[%swap3A_209], %while3A_202#3 {strides = array<i32>} : memref<64xi32, #tpu.memory_space<vmem>>, vector<16xi32>,
      %and3A_211 = arith.constant 1 : i32
      %and3A_212 = vector.broadcast %and3A_211 : i32 to vector<16xi32>
      %and3A_213 = arith.andi %iota3A, %and3A_212 : vector<16xi32>
      %eq3A = arith.constant 0 : i32
      %eq3A_214 = vector.broadcast %eq3A : i32 to vector<16xi32>
      %eq3A_215 = arith.cmpi eq, %and3A_213, %eq3A_214 : vector<16xi32>
      %get3A = arith.constant 17 : index
      %get3A_216 = tpu.vector_load %arg18[%get3A] {strides = array<i32>} : memref<64xf32, #tpu.memory_space<vmem>>, vector<16xf32>,
      %get3A_217 = arith.constant 15 : index
      %get3A_218 = tpu.vector_load %arg18[%get3A_217] {strides = array<i32>} : memref<64xf32, #tpu.memory_space<vmem>>, vector<16xf32>,
      %get3A_219 = arith.constant 33 : index
      %get3A_220 = tpu.vector_load %arg18[%get3A_219] {strides = array<i32>} : memref<64xf32, #tpu.memory_space<vmem>>, vector<16xf32>,
      %get3A_221 = arith.constant 31 : index
      %get3A_222 = tpu.vector_load %arg18[%get3A_221] {strides = array<i32>} : memref<64xf32, #tpu.memory_space<vmem>>, vector<16xf32>,
      %get3A_223 = arith.constant 17 : index
      %get3A_224 = tpu.vector_load %arg19[%get3A_223] {strides = array<i32>} : memref<64xi32, #tpu.memory_space<vmem>>, vector<16xi32>,
      %get3A_225 = arith.constant 15 : index
      %get3A_226 = tpu.vector_load %arg19[%get3A_225] {strides = array<i32>} : memref<64xi32, #tpu.memory_space<vmem>>, vector<16xi32>,
      %get3A_227 = arith.constant 33 : index
      %get3A_228 = tpu.vector_load %arg19[%get3A_227] {strides = array<i32>} : memref<64xi32, #tpu.memory_space<vmem>>, vector<16xi32>,
      %get3A_229 = arith.constant 31 : index
      %get3A_230 = tpu.vector_load %arg19[%get3A_229] {strides = array<i32>} : memref<64xi32, #tpu.memory_space<vmem>>, vector<16xi32>,
      %eq3A_231 = arith.cmpf oeq, %while3A_202#0, %get3A_216 : vector<16xf32>
      %and3A_232 = arith.andi %eq3A_215, %eq3A_231 : vector<16xi1>
      %gt3A = arith.cmpi sgt, %while3A_202#1, %get3A_224 : vector<16xi32>
      %and3A_233 = arith.andi %and3A_232, %gt3A : vector<16xi1>
      %not3A = arith.constant dense<true> : vector<16xi1>
      %not3A_234 = arith.xori %eq3A_215, %not3A : vector<16xi1>
      %eq3A_235 = arith.cmpf oeq, %get3A_218, %while3A_202#0 : vector<16xf32>
      %and3A_236 = arith.andi %not3A_234, %eq3A_235 : vector<16xi1>
      %gt3A_237 = arith.cmpi sgt, %get3A_226, %while3A_202#1 : vector<16xi32>
      %and3A_238 = arith.andi %and3A_236, %gt3A_237 : vector<16xi1>
      %select_n3A = arith.select %and3A_238, %get3A_226, %while3A_202#1 : vector<16xi1>, vector<16xi32>
      %select_n3A_239 = arith.select %and3A_233, %get3A_224, %select_n3A : vector<16xi1>, vector<16xi32>
      %eq3A_240 = arith.cmpf oeq, %while3A_202#2, %get3A_220 : vector<16xf32>
      %and3A_241 = arith.andi %eq3A_215, %eq3A_240 : vector<16xi1>
      %gt3A_242 = arith.cmpi sgt, %while3A_202#3, %get3A_228 : vector<16xi32>
      %and3A_243 = arith.andi %and3A_241, %gt3A_242 : vector<16xi1>
      %not3A_244 = arith.constant dense<true> : vector<16xi1>
      %not3A_245 = arith.xori %eq3A_215, %not3A_244 : vector<16xi1>
      %eq3A_246 = arith.cmpf oeq, %get3A_222, %while3A_202#2 : vector<16xf32>
      %and3A_247 = arith.andi %not3A_245, %eq3A_246 : vector<16xi1>
      %gt3A_248 = arith.cmpi sgt, %get3A_230, %while3A_202#3 : vector<16xi32>
      %and3A_249 = arith.andi %and3A_247, %gt3A_248 : vector<16xi1>
      %select_n3A_250 = arith.select %and3A_249, %get3A_230, %while3A_202#3 : vector<16xi1>, vector<16xi32>
      %select_n3A_251 = arith.select %and3A_243, %get3A_228, %select_n3A_250 : vector<16xi1>, vector<16xi32>
      %swap3A_252 = arith.constant 16 : index
      %swap3A_253 = tpu.vector_load %arg19[%swap3A_252] {strides = array<i32>} : memref<64xi32, #tpu.memory_space<vmem>>, vector<16xi32>,
      tpu.vector_store %arg19[%swap3A_252], %select_n3A_239 {strides = array<i32>} : memref<64xi32, #tpu.memory_space<vmem>>, vector<16xi32>,
      %swap3A_254 = arith.constant 32 : index
      %swap3A_255 = tpu.vector_load %arg19[%swap3A_254] {strides = array<i32>} : memref<64xi32, #tpu.memory_space<vmem>>, vector<16xi32>,
      tpu.vector_store %arg19[%swap3A_254], %select_n3A_251 {strides = array<i32>} : memref<64xi32, #tpu.memory_space<vmem>>, vector<16xi32>,
      %and3A_256 = arith.constant 1 : i32
      %and3A_257 = vector.broadcast %and3A_256 : i32 to vector<16xi32>
      %and3A_258 = arith.andi %iota3A, %and3A_257 : vector<16xi32>
      %eq3A_259 = arith.constant 1 : i32
      %eq3A_260 = vector.broadcast %eq3A_259 : i32 to vector<16xi32>
      %eq3A_261 = arith.cmpi eq, %and3A_258, %eq3A_260 : vector<16xi32>
      %get3A_262 = arith.constant 17 : index
      %get3A_263 = tpu.vector_load %arg18[%get3A_262] {strides = array<i32>} : memref<64xf32, #tpu.memory_space<vmem>>, vector<16xf32>,
      %get3A_264 = arith.constant 15 : index
      %get3A_265 = tpu.vector_load %arg18[%get3A_264] {strides = array<i32>} : memref<64xf32, #tpu.memory_space<vmem>>, vector<16xf32>,
      %get3A_266 = arith.constant 33 : index
      %get3A_267 = tpu.vector_load %arg18[%get3A_266] {strides = array<i32>} : memref<64xf32, #tpu.memory_space<vmem>>, vector<16xf32>,
      %get3A_268 = arith.constant 31 : index
      %get3A_269 = tpu.vector_load %arg18[%get3A_268] {strides = array<i32>} : memref<64xf32, #tpu.memory_space<vmem>>, vector<16xf32>,
      %get3A_270 = arith.constant 17 : index
      %get3A_271 = tpu.vector_load %arg19[%get3A_270] {strides = array<i32>} : memref<64xi32, #tpu.memory_space<vmem>>, vector<16xi32>,
      %get3A_272 = arith.constant 15 : index
      %get3A_273 = tpu.vector_load %arg19[%get3A_272] {strides = array<i32>} : memref<64xi32, #tpu.memory_space<vmem>>, vector<16xi32>,
      %get3A_274 = arith.constant 33 : index
      %get3A_275 = tpu.vector_load %arg19[%get3A_274] {strides = array<i32>} : memref<64xi32, #tpu.memory_space<vmem>>, vector<16xi32>,
      %get3A_276 = arith.constant 31 : index
      %get3A_277 = tpu.vector_load %arg19[%get3A_276] {strides = array<i32>} : memref<64xi32, #tpu.memory_space<vmem>>, vector<16xi32>,
      %eq3A_278 = arith.cmpf oeq, %while3A_202#0, %get3A_263 : vector<16xf32>
      %and3A_279 = arith.andi %eq3A_261, %eq3A_278 : vector<16xi1>
      %gt3A_280 = arith.cmpi sgt, %select_n3A_239, %get3A_271 : vector<16xi32>
      %and3A_281 = arith.andi %and3A_279, %gt3A_280 : vector<16xi1>
      %not3A_282 = arith.constant dense<true> : vector<16xi1>
      %not3A_283 = arith.xori %eq3A_261, %not3A_282 : vector<16xi1>
      %eq3A_284 = arith.cmpf oeq, %get3A_265, %while3A_202#0 : vector<16xf32>
      %and3A_285 = arith.andi %not3A_283, %eq3A_284 : vector<16xi1>
      %gt3A_286 = arith.cmpi sgt, %get3A_273, %select_n3A_239 : vector<16xi32>
      %and3A_287 = arith.andi %and3A_285, %gt3A_286 : vector<16xi1>
      %select_n3A_288 = arith.select %and3A_287, %get3A_273, %select_n3A_239 : vector<16xi1>, vector<16xi32>
      %select_n3A_289 = arith.select %and3A_281, %get3A_271, %select_n3A_288 : vector<16xi1>, vector<16xi32>
      %eq3A_290 = arith.cmpf oeq, %while3A_202#2, %get3A_267 : vector<16xf32>
      %and3A_291 = arith.andi %eq3A_261, %eq3A_290 : vector<16xi1>
      %gt3A_292 = arith.cmpi sgt, %select_n3A_251, %get3A_275 : vector<16xi32>
      %and3A_293 = arith.andi %and3A_291, %gt3A_292 : vector<16xi1>
      %not3A_294 = arith.constant dense<true> : vector<16xi1>
      %not3A_295 = arith.xori %eq3A_261, %not3A_294 : vector<16xi1>
      %eq3A_296 = arith.cmpf oeq, %get3A_269, %while3A_202#2 : vector<16xf32>
      %and3A_297 = arith.andi %not3A_295, %eq3A_296 : vector<16xi1>
      %gt3A_298 = arith.cmpi sgt, %get3A_277, %select_n3A_251 : vector<16xi32>
      %and3A_299 = arith.andi %and3A_297, %gt3A_298 : vector<16xi1>
      %select_n3A_300 = arith.select %and3A_299, %get3A_277, %select_n3A_251 : vector<16xi1>, vector<16xi32>
      %select_n3A_301 = arith.select %and3A_293, %get3A_275, %select_n3A_300 : vector<16xi1>, vector<16xi32>
      %gather3A_302 = tpu.vector_load_idx %arg10[%select_n3A_289] : memref<4096xf32, #tpu.memory_space<vmem>>[vector<16xi32>], vector<16xf32>,
      %gather3A_303 = tpu.vector_load_idx %arg11[%select_n3A_289] : memref<4096xf32, #tpu.memory_space<vmem>>[vector<16xi32>], vector<16xf32>,
      %gather3A_304 = tpu.vector_load_idx %arg12[%select_n3A_289] : memref<4096xf32, #tpu.memory_space<vmem>>[vector<16xi32>], vector<16xf32>,
      %sub3A = arith.subf %gather3A_302, %gather3A : vector<16xf32>
      %sub3A_305 = arith.subf %gather3A_303, %gather3A_33 : vector<16xf32>
      %sub3A_306 = arith.subf %gather3A_304, %gather3A_34 : vector<16xf32>
      %mul3A_307 = arith.mulf %sub3A, %sub3A : vector<16xf32>
      %mul3A_308 = arith.mulf %sub3A_305, %sub3A_305 : vector<16xf32>
      %add3A_309 = arith.addf %mul3A_307, %mul3A_308 : vector<16xf32>
      %mul3A_310 = arith.mulf %sub3A_306, %sub3A_306 : vector<16xf32>
      %add3A_311 = arith.addf %add3A_309, %mul3A_310 : vector<16xf32>
      %ne3A = arith.cmpi ne, %select_n3A_289, %broadcast_in_dim3A_32 : vector<16xi32>
      %jit3A = arith.constant 1.000000e+00 : f32
      %broadcast_in_dim3A_312 = vector.broadcast %jit3A : f32 to vector<16xf32>
      %select_n3A_313 = arith.select %ne3A, %add3A_311, %broadcast_in_dim3A_312 : vector<16xi1>, vector<16xf32>
      %bitcast3A_314 = vector.bitcast %select_n3A_313 : vector<16xf32> to vector<16xi32>
      %shift_right_arithmetic3A_315 = arith.constant 1 : i32
      %shift_right_arithmetic3A_316 = vector.broadcast %shift_right_arithmetic3A_315 : i32 to vector<16xi32>
      %shift_right_arithmetic3A_317 = arith.shrsi %bitcast3A_314, %shift_right_arithmetic3A_316 : vector<16xi32>
      %sub3A_318 = arith.constant 1597463007 : i32
      %sub3A_319 = vector.broadcast %sub3A_318 : i32 to vector<16xi32>
      %sub3A_320 = arith.subi %sub3A_319, %shift_right_arithmetic3A_317 : vector<16xi32>
      %bitcast3A_321 = vector.bitcast %sub3A_320 : vector<16xi32> to vector<16xf32>
      %mul3A_322 = arith.constant 5.000000e-01 : f32
      %mul3A_323 = vector.broadcast %mul3A_322 : f32 to vector<16xf32>
      %mul3A_324 = arith.mulf %mul3A_323, %select_n3A_313 : vector<16xf32>
      %mul3A_325 = arith.mulf %mul3A_324, %bitcast3A_321 : vector<16xf32>
      %mul3A_326 = arith.mulf %mul3A_325, %bitcast3A_321 : vector<16xf32>
      %sub3A_327 = arith.constant 1.500000e+00 : f32
      %sub3A_328 = vector.broadcast %sub3A_327 : f32 to vector<16xf32>
      %sub3A_329 = arith.subf %sub3A_328, %mul3A_326 : vector<16xf32>
      %mul3A_330 = arith.mulf %bitcast3A_321, %sub3A_329 : vector<16xf32>
      %mul3A_331 = arith.constant 5.000000e-01 : f32
      %mul3A_332 = vector.broadcast %mul3A_331 : f32 to vector<16xf32>
      %mul3A_333 = arith.mulf %mul3A_332, %select_n3A_313 : vector<16xf32>
      %mul3A_334 = arith.mulf %mul3A_333, %mul3A_330 : vector<16xf32>
      %mul3A_335 = arith.mulf %mul3A_334, %mul3A_330 : vector<16xf32>
      %sub3A_336 = arith.constant 1.500000e+00 : f32
      %sub3A_337 = vector.broadcast %sub3A_336 : f32 to vector<16xf32>
      %sub3A_338 = arith.subf %sub3A_337, %mul3A_335 : vector<16xf32>
      %mul3A_339 = arith.mulf %mul3A_330, %sub3A_338 : vector<16xf32>
      %mul3A_340 = arith.constant 5.000000e-01 : f32
      %mul3A_341 = vector.broadcast %mul3A_340 : f32 to vector<16xf32>
      %mul3A_342 = arith.mulf %mul3A_341, %select_n3A_313 : vector<16xf32>
      %mul3A_343 = arith.mulf %mul3A_342, %mul3A_339 : vector<16xf32>
      %mul3A_344 = arith.mulf %mul3A_343, %mul3A_339 : vector<16xf32>
      %sub3A_345 = arith.constant 1.500000e+00 : f32
      %sub3A_346 = vector.broadcast %sub3A_345 : f32 to vector<16xf32>
      %sub3A_347 = arith.subf %sub3A_346, %mul3A_344 : vector<16xf32>
      %mul3A_348 = arith.mulf %mul3A_339, %sub3A_347 : vector<16xf32>
      %mul3A_349 = arith.constant 5.000000e-01 : f32
      %mul3A_350 = vector.broadcast %mul3A_349 : f32 to vector<16xf32>
      %mul3A_351 = arith.mulf %mul3A_350, %select_n3A_313 : vector<16xf32>
      %mul3A_352 = arith.mulf %mul3A_351, %mul3A_348 : vector<16xf32>
      %mul3A_353 = arith.mulf %mul3A_352, %mul3A_348 : vector<16xf32>
      %sub3A_354 = arith.constant 1.500000e+00 : f32
      %sub3A_355 = vector.broadcast %sub3A_354 : f32 to vector<16xf32>
      %sub3A_356 = arith.subf %sub3A_355, %mul3A_353 : vector<16xf32>
      %mul3A_357 = arith.mulf %mul3A_348, %sub3A_356 : vector<16xf32>
      %mul3A_358 = arith.mulf %select_n3A_313, %mul3A_357 : vector<16xf32>
      %jit3A_359 = arith.constant 0.000000e+00 : f32
      %broadcast_in_dim3A_360 = vector.broadcast %jit3A_359 : f32 to vector<16xf32>
      %select_n3A_361 = arith.select %ne3A, %mul3A_358, %broadcast_in_dim3A_360 : vector<16xi1>, vector<16xf32>
      %mul3A_362 = arith.constant 2 : i32
      %mul3A_363 = arith.muli %scan3A_23, %mul3A_362 : i32
      %add3A_364 = arith.constant 0 : i32
      %add3A_365 = arith.addi %mul3A_363, %add3A_364 : i32
      %mul3A_366 = arith.constant 32 : i32
      %mul3A_367 = arith.muli %add3A_365, %mul3A_366 : i32
      %add3A_368 = arith.constant 0 : i32
      %add3A_369 = arith.addi %mul3A_367, %add3A_368 : i32
      %add3A_370 = vector.broadcast %add3A_369 : i32 to vector<16xi32>
      %add3A_371 = arith.addi %add3A_370, %iota3A : vector<16xi32>
      %broadcast_in_dim3A_372 = arith.constant 0 : i32
      %broadcast_in_dim3A_373 = vector.broadcast %broadcast_in_dim3A_372 : i32 to vector<16xi32>
      tpu.vector_store_idx %arg15[%broadcast_in_dim3A_373, %add3A_371], %select_n3A_289 : memref<2x4096xi32, #tpu.memory_space<vmem>>[vector<16xi32>, vector<16xi32>], vector<16xi32>,
      %broadcast_in_dim3A_374 = arith.constant 1 : i32
      %broadcast_in_dim3A_375 = vector.broadcast %broadcast_in_dim3A_374 : i32 to vector<16xi32>
      tpu.vector_store_idx %arg15[%broadcast_in_dim3A_375, %add3A_371], %broadcast_in_dim3A_32 : memref<2x4096xi32, #tpu.memory_space<vmem>>[vector<16xi32>, vector<16xi32>], vector<16xi32>,
      %swap3A_376 = arith.index_cast %add3A_369 : i32 to index
      %swap3A_377 = tpu.vector_load %arg16[%swap3A_376] {strides = array<i32>} : memref<4096xf32, #tpu.memory_space<vmem>>, vector<16xf32>,
      tpu.vector_store %arg16[%swap3A_376], %select_n3A_361 {strides = array<i32>} : memref<4096xf32, #tpu.memory_space<vmem>>, vector<16xf32>,
      %and3A_378 = arith.constant 511 : i32
      %and3A_379 = arith.andi %add3A_369, %and3A_378 : i32
      %add3A_380 = vector.broadcast %and3A_379 : i32 to vector<16xi32>
      %add3A_381 = arith.addi %add3A_380, %iota3A : vector<16xi32>
      %broadcast_in_dim3A_382 = arith.constant 0 : i32
      %broadcast_in_dim3A_383 = vector.broadcast %broadcast_in_dim3A_382 : i32 to vector<16xi32>
      tpu.vector_store_idx %arg17[%add3A_381, %broadcast_in_dim3A_383], %sub3A : memref<512x3xf32, #tpu.memory_space<vmem>>[vector<16xi32>, vector<16xi32>], vector<16xf32>,
      %broadcast_in_dim3A_384 = arith.constant 1 : i32
      %broadcast_in_dim3A_385 = vector.broadcast %broadcast_in_dim3A_384 : i32 to vector<16xi32>
      tpu.vector_store_idx %arg17[%add3A_381, %broadcast_in_dim3A_385], %sub3A_305 : memref<512x3xf32, #tpu.memory_space<vmem>>[vector<16xi32>, vector<16xi32>], vector<16xf32>,
      %broadcast_in_dim3A_386 = arith.constant 2 : i32
      %broadcast_in_dim3A_387 = vector.broadcast %broadcast_in_dim3A_386 : i32 to vector<16xi32>
      tpu.vector_store_idx %arg17[%add3A_381, %broadcast_in_dim3A_387], %sub3A_306 : memref<512x3xf32, #tpu.memory_space<vmem>>[vector<16xi32>, vector<16xi32>], vector<16xf32>,
      %gather3A_388 = tpu.vector_load_idx %arg10[%select_n3A_301] : memref<4096xf32, #tpu.memory_space<vmem>>[vector<16xi32>], vector<16xf32>,
      %gather3A_389 = tpu.vector_load_idx %arg11[%select_n3A_301] : memref<4096xf32, #tpu.memory_space<vmem>>[vector<16xi32>], vector<16xf32>,
      %gather3A_390 = tpu.vector_load_idx %arg12[%select_n3A_301] : memref<4096xf32, #tpu.memory_space<vmem>>[vector<16xi32>], vector<16xf32>,
      %sub3A_391 = arith.subf %gather3A_388, %gather3A : vector<16xf32>
      %sub3A_392 = arith.subf %gather3A_389, %gather3A_33 : vector<16xf32>
      %sub3A_393 = arith.subf %gather3A_390, %gather3A_34 : vector<16xf32>
      %mul3A_394 = arith.mulf %sub3A_391, %sub3A_391 : vector<16xf32>
      %mul3A_395 = arith.mulf %sub3A_392, %sub3A_392 : vector<16xf32>
      %add3A_396 = arith.addf %mul3A_394, %mul3A_395 : vector<16xf32>
      %mul3A_397 = arith.mulf %sub3A_393, %sub3A_393 : vector<16xf32>
      %add3A_398 = arith.addf %add3A_396, %mul3A_397 : vector<16xf32>
      %ne3A_399 = arith.cmpi ne, %select_n3A_301, %broadcast_in_dim3A_32 : vector<16xi32>
      %jit3A_400 = arith.constant 1.000000e+00 : f32
      %broadcast_in_dim3A_401 = vector.broadcast %jit3A_400 : f32 to vector<16xf32>
      %select_n3A_402 = arith.select %ne3A_399, %add3A_398, %broadcast_in_dim3A_401 : vector<16xi1>, vector<16xf32>
      %bitcast3A_403 = vector.bitcast %select_n3A_402 : vector<16xf32> to vector<16xi32>
      %shift_right_arithmetic3A_404 = arith.constant 1 : i32
      %shift_right_arithmetic3A_405 = vector.broadcast %shift_right_arithmetic3A_404 : i32 to vector<16xi32>
      %shift_right_arithmetic3A_406 = arith.shrsi %bitcast3A_403, %shift_right_arithmetic3A_405 : vector<16xi32>
      %sub3A_407 = arith.constant 1597463007 : i32
      %sub3A_408 = vector.broadcast %sub3A_407 : i32 to vector<16xi32>
      %sub3A_409 = arith.subi %sub3A_408, %shift_right_arithmetic3A_406 : vector<16xi32>
      %bitcast3A_410 = vector.bitcast %sub3A_409 : vector<16xi32> to vector<16xf32>
      %mul3A_411 = arith.constant 5.000000e-01 : f32
      %mul3A_412 = vector.broadcast %mul3A_411 : f32 to vector<16xf32>
      %mul3A_413 = arith.mulf %mul3A_412, %select_n3A_402 : vector<16xf32>
      %mul3A_414 = arith.mulf %mul3A_413, %bitcast3A_410 : vector<16xf32>
      %mul3A_415 = arith.mulf %mul3A_414, %bitcast3A_410 : vector<16xf32>
      %sub3A_416 = arith.constant 1.500000e+00 : f32
      %sub3A_417 = vector.broadcast %sub3A_416 : f32 to vector<16xf32>
      %sub3A_418 = arith.subf %sub3A_417, %mul3A_415 : vector<16xf32>
      %mul3A_419 = arith.mulf %bitcast3A_410, %sub3A_418 : vector<16xf32>
      %mul3A_420 = arith.constant 5.000000e-01 : f32
      %mul3A_421 = vector.broadcast %mul3A_420 : f32 to vector<16xf32>
      %mul3A_422 = arith.mulf %mul3A_421, %select_n3A_402 : vector<16xf32>
      %mul3A_423 = arith.mulf %mul3A_422, %mul3A_419 : vector<16xf32>
      %mul3A_424 = arith.mulf %mul3A_423, %mul3A_419 : vector<16xf32>
      %sub3A_425 = arith.constant 1.500000e+00 : f32
      %sub3A_426 = vector.broadcast %sub3A_425 : f32 to vector<16xf32>
      %sub3A_427 = arith.subf %sub3A_426, %mul3A_424 : vector<16xf32>
      %mul3A_428 = arith.mulf %mul3A_419, %sub3A_427 : vector<16xf32>
      %mul3A_429 = arith.constant 5.000000e-01 : f32
      %mul3A_430 = vector.broadcast %mul3A_429 : f32 to vector<16xf32>
      %mul3A_431 = arith.mulf %mul3A_430, %select_n3A_402 : vector<16xf32>
      %mul3A_432 = arith.mulf %mul3A_431, %mul3A_428 : vector<16xf32>
      %mul3A_433 = arith.mulf %mul3A_432, %mul3A_428 : vector<16xf32>
      %sub3A_434 = arith.constant 1.500000e+00 : f32
      %sub3A_435 = vector.broadcast %sub3A_434 : f32 to vector<16xf32>
      %sub3A_436 = arith.subf %sub3A_435, %mul3A_433 : vector<16xf32>
      %mul3A_437 = arith.mulf %mul3A_428, %sub3A_436 : vector<16xf32>
      %mul3A_438 = arith.constant 5.000000e-01 : f32
      %mul3A_439 = vector.broadcast %mul3A_438 : f32 to vector<16xf32>
      %mul3A_440 = arith.mulf %mul3A_439, %select_n3A_402 : vector<16xf32>
      %mul3A_441 = arith.mulf %mul3A_440, %mul3A_437 : vector<16xf32>
      %mul3A_442 = arith.mulf %mul3A_441, %mul3A_437 : vector<16xf32>
      %sub3A_443 = arith.constant 1.500000e+00 : f32
      %sub3A_444 = vector.broadcast %sub3A_443 : f32 to vector<16xf32>
      %sub3A_445 = arith.subf %sub3A_444, %mul3A_442 : vector<16xf32>
      %mul3A_446 = arith.mulf %mul3A_437, %sub3A_445 : vector<16xf32>
      %mul3A_447 = arith.mulf %select_n3A_402, %mul3A_446 : vector<16xf32>
      %jit3A_448 = arith.constant 0.000000e+00 : f32
      %broadcast_in_dim3A_449 = vector.broadcast %jit3A_448 : f32 to vector<16xf32>
      %select_n3A_450 = arith.select %ne3A_399, %mul3A_447, %broadcast_in_dim3A_449 : vector<16xi1>, vector<16xf32>
      %mul3A_451 = arith.constant 2 : i32
      %mul3A_452 = arith.muli %scan3A_23, %mul3A_451 : i32
      %add3A_453 = arith.constant 0 : i32
      %add3A_454 = arith.addi %mul3A_452, %add3A_453 : i32
      %mul3A_455 = arith.constant 32 : i32
      %mul3A_456 = arith.muli %add3A_454, %mul3A_455 : i32
      %add3A_457 = arith.constant 16 : i32
      %add3A_458 = arith.addi %mul3A_456, %add3A_457 : i32
      %add3A_459 = vector.broadcast %add3A_458 : i32 to vector<16xi32>
      %add3A_460 = arith.addi %add3A_459, %iota3A : vector<16xi32>
      %broadcast_in_dim3A_461 = arith.constant 0 : i32
      %broadcast_in_dim3A_462 = vector.broadcast %broadcast_in_dim3A_461 : i32 to vector<16xi32>
      tpu.vector_store_idx %arg15[%broadcast_in_dim3A_462, %add3A_460], %select_n3A_301 : memref<2x4096xi32, #tpu.memory_space<vmem>>[vector<16xi32>, vector<16xi32>], vector<16xi32>,
      %broadcast_in_dim3A_463 = arith.constant 1 : i32
      %broadcast_in_dim3A_464 = vector.broadcast %broadcast_in_dim3A_463 : i32 to vector<16xi32>
      tpu.vector_store_idx %arg15[%broadcast_in_dim3A_464, %add3A_460], %broadcast_in_dim3A_32 : memref<2x4096xi32, #tpu.memory_space<vmem>>[vector<16xi32>, vector<16xi32>], vector<16xi32>,
      %swap3A_465 = arith.index_cast %add3A_458 : i32 to index
      %swap3A_466 = tpu.vector_load %arg16[%swap3A_465] {strides = array<i32>} : memref<4096xf32, #tpu.memory_space<vmem>>, vector<16xf32>,
      tpu.vector_store %arg16[%swap3A_465], %select_n3A_450 {strides = array<i32>} : memref<4096xf32, #tpu.memory_space<vmem>>, vector<16xf32>,
      %and3A_467 = arith.constant 511 : i32
      %and3A_468 = arith.andi %add3A_458, %and3A_467 : i32
      %add3A_469 = vector.broadcast %and3A_468 : i32 to vector<16xi32>
      %add3A_470 = arith.addi %add3A_469, %iota3A : vector<16xi32>
      %broadcast_in_dim3A_471 = arith.constant 0 : i32
      %broadcast_in_dim3A_472 = vector.broadcast %broadcast_in_dim3A_471 : i32 to vector<16xi32>
      tpu.vector_store_idx %arg17[%add3A_470, %broadcast_in_dim3A_472], %sub3A_391 : memref<512x3xf32, #tpu.memory_space<vmem>>[vector<16xi32>, vector<16xi32>], vector<16xf32>,
      %broadcast_in_dim3A_473 = arith.constant 1 : i32
      %broadcast_in_dim3A_474 = vector.broadcast %broadcast_in_dim3A_473 : i32 to vector<16xi32>
      tpu.vector_store_idx %arg17[%add3A_470, %broadcast_in_dim3A_474], %sub3A_392 : memref<512x3xf32, #tpu.memory_space<vmem>>[vector<16xi32>, vector<16xi32>], vector<16xf32>,
      %broadcast_in_dim3A_475 = arith.constant 2 : i32
      %broadcast_in_dim3A_476 = vector.broadcast %broadcast_in_dim3A_475 : i32 to vector<16xi32>
      tpu.vector_store_idx %arg17[%add3A_470, %broadcast_in_dim3A_476], %sub3A_393 : memref<512x3xf32, #tpu.memory_space<vmem>>[vector<16xi32>, vector<16xi32>], vector<16xf32>,
      %swap3A_477 = arith.constant 16 : index
      %swap3A_478 = tpu.vector_load %arg18[%swap3A_477] {strides = array<i32>} : memref<64xf32, #tpu.memory_space<vmem>>, vector<16xf32>,
      tpu.vector_store %arg18[%swap3A_477], %while3A_202#4 {strides = array<i32>} : memref<64xf32, #tpu.memory_space<vmem>>, vector<16xf32>,
      %swap3A_479 = arith.constant 32 : index
      %swap3A_480 = tpu.vector_load %arg18[%swap3A_479] {strides = array<i32>} : memref<64xf32, #tpu.memory_space<vmem>>, vector<16xf32>,
      tpu.vector_store %arg18[%swap3A_479], %while3A_202#6 {strides = array<i32>} : memref<64xf32, #tpu.memory_space<vmem>>, vector<16xf32>,
      %swap3A_481 = arith.constant 16 : index
      %swap3A_482 = tpu.vector_load %arg19[%swap3A_481] {strides = array<i32>} : memref<64xi32, #tpu.memory_space<vmem>>, vector<16xi32>,
      tpu.vector_store %arg19[%swap3A_481], %while3A_202#5 {strides = array<i32>} : memref<64xi32, #tpu.memory_space<vmem>>, vector<16xi32>,
      %swap3A_483 = arith.constant 32 : index
      %swap3A_484 = tpu.vector_load %arg19[%swap3A_483] {strides = array<i32>} : memref<64xi32, #tpu.memory_space<vmem>>, vector<16xi32>,
      tpu.vector_store %arg19[%swap3A_483], %while3A_202#7 {strides = array<i32>} : memref<64xi32, #tpu.memory_space<vmem>>, vector<16xi32>,
      %and3A_485 = arith.constant 1 : i32
      %and3A_486 = vector.broadcast %and3A_485 : i32 to vector<16xi32>
      %and3A_487 = arith.andi %iota3A, %and3A_486 : vector<16xi32>
      %eq3A_488 = arith.constant 0 : i32
      %eq3A_489 = vector.broadcast %eq3A_488 : i32 to vector<16xi32>
      %eq3A_490 = arith.cmpi eq, %and3A_487, %eq3A_489 : vector<16xi32>
      %get3A_491 = arith.constant 17 : index
      %get3A_492 = tpu.vector_load %arg18[%get3A_491] {strides = array<i32>} : memref<64xf32, #tpu.memory_space<vmem>>, vector<16xf32>,
      %get3A_493 = arith.constant 15 : index
      %get3A_494 = tpu.vector_load %arg18[%get3A_493] {strides = array<i32>} : memref<64xf32, #tpu.memory_space<vmem>>, vector<16xf32>,
      %get3A_495 = arith.constant 33 : index
      %get3A_496 = tpu.vector_load %arg18[%get3A_495] {strides = array<i32>} : memref<64xf32, #tpu.memory_space<vmem>>, vector<16xf32>,
      %get3A_497 = arith.constant 31 : index
      %get3A_498 = tpu.vector_load %arg18[%get3A_497] {strides = array<i32>} : memref<64xf32, #tpu.memory_space<vmem>>, vector<16xf32>,
      %get3A_499 = arith.constant 17 : index
      %get3A_500 = tpu.vector_load %arg19[%get3A_499] {strides = array<i32>} : memref<64xi32, #tpu.memory_space<vmem>>, vector<16xi32>,
      %get3A_501 = arith.constant 15 : index
      %get3A_502 = tpu.vector_load %arg19[%get3A_501] {strides = array<i32>} : memref<64xi32, #tpu.memory_space<vmem>>, vector<16xi32>,
      %get3A_503 = arith.constant 33 : index
      %get3A_504 = tpu.vector_load %arg19[%get3A_503] {strides = array<i32>} : memref<64xi32, #tpu.memory_space<vmem>>, vector<16xi32>,
      %get3A_505 = arith.constant 31 : index
      %get3A_506 = tpu.vector_load %arg19[%get3A_505] {strides = array<i32>} : memref<64xi32, #tpu.memory_space<vmem>>, vector<16xi32>,
      %eq3A_507 = arith.cmpf oeq, %while3A_202#4, %get3A_492 : vector<16xf32>
      %and3A_508 = arith.andi %eq3A_490, %eq3A_507 : vector<16xi1>
      %gt3A_509 = arith.cmpi sgt, %while3A_202#5, %get3A_500 : vector<16xi32>
      %and3A_510 = arith.andi %and3A_508, %gt3A_509 : vector<16xi1>
      %not3A_511 = arith.constant dense<true> : vector<16xi1>
      %not3A_512 = arith.xori %eq3A_490, %not3A_511 : vector<16xi1>
      %eq3A_513 = arith.cmpf oeq, %get3A_494, %while3A_202#4 : vector<16xf32>
      %and3A_514 = arith.andi %not3A_512, %eq3A_513 : vector<16xi1>
      %gt3A_515 = arith.cmpi sgt, %get3A_502, %while3A_202#5 : vector<16xi32>
      %and3A_516 = arith.andi %and3A_514, %gt3A_515 : vector<16xi1>
      %select_n3A_517 = arith.select %and3A_516, %get3A_502, %while3A_202#5 : vector<16xi1>, vector<16xi32>
      %select_n3A_518 = arith.select %and3A_510, %get3A_500, %select_n3A_517 : vector<16xi1>, vector<16xi32>
      %eq3A_519 = arith.cmpf oeq, %while3A_202#6, %get3A_496 : vector<16xf32>
      %and3A_520 = arith.andi %eq3A_490, %eq3A_519 : vector<16xi1>
      %gt3A_521 = arith.cmpi sgt, %while3A_202#7, %get3A_504 : vector<16xi32>
      %and3A_522 = arith.andi %and3A_520, %gt3A_521 : vector<16xi1>
      %not3A_523 = arith.constant dense<true> : vector<16xi1>
      %not3A_524 = arith.xori %eq3A_490, %not3A_523 : vector<16xi1>
      %eq3A_525 = arith.cmpf oeq, %get3A_498, %while3A_202#6 : vector<16xf32>
      %and3A_526 = arith.andi %not3A_524, %eq3A_525 : vector<16xi1>
      %gt3A_527 = arith.cmpi sgt, %get3A_506, %while3A_202#7 : vector<16xi32>
      %and3A_528 = arith.andi %and3A_526, %gt3A_527 : vector<16xi1>
      %select_n3A_529 = arith.select %and3A_528, %get3A_506, %while3A_202#7 : vector<16xi1>, vector<16xi32>
      %select_n3A_530 = arith.select %and3A_522, %get3A_504, %select_n3A_529 : vector<16xi1>, vector<16xi32>
      %swap3A_531 = arith.constant 16 : index
      %swap3A_532 = tpu.vector_load %arg19[%swap3A_531] {strides = array<i32>} : memref<64xi32, #tpu.memory_space<vmem>>, vector<16xi32>,
      tpu.vector_store %arg19[%swap3A_531], %select_n3A_518 {strides = array<i32>} : memref<64xi32, #tpu.memory_space<vmem>>, vector<16xi32>,
      %swap3A_533 = arith.constant 32 : index
      %swap3A_534 = tpu.vector_load %arg19[%swap3A_533] {strides = array<i32>} : memref<64xi32, #tpu.memory_space<vmem>>, vector<16xi32>,
      tpu.vector_store %arg19[%swap3A_533], %select_n3A_530 {strides = array<i32>} : memref<64xi32, #tpu.memory_space<vmem>>, vector<16xi32>,
      %and3A_535 = arith.constant 1 : i32
      %and3A_536 = vector.broadcast %and3A_535 : i32 to vector<16xi32>
      %and3A_537 = arith.andi %iota3A, %and3A_536 : vector<16xi32>
      %eq3A_538 = arith.constant 1 : i32
      %eq3A_539 = vector.broadcast %eq3A_538 : i32 to vector<16xi32>
      %eq3A_540 = arith.cmpi eq, %and3A_537, %eq3A_539 : vector<16xi32>
      %get3A_541 = arith.constant 17 : index
      %get3A_542 = tpu.vector_load %arg18[%get3A_541] {strides = array<i32>} : memref<64xf32, #tpu.memory_space<vmem>>, vector<16xf32>,
      %get3A_543 = arith.constant 15 : index
      %get3A_544 = tpu.vector_load %arg18[%get3A_543] {strides = array<i32>} : memref<64xf32, #tpu.memory_space<vmem>>, vector<16xf32>,
      %get3A_545 = arith.constant 33 : index
      %get3A_546 = tpu.vector_load %arg18[%get3A_545] {strides = array<i32>} : memref<64xf32, #tpu.memory_space<vmem>>, vector<16xf32>,
      %get3A_547 = arith.constant 31 : index
      %get3A_548 = tpu.vector_load %arg18[%get3A_547] {strides = array<i32>} : memref<64xf32, #tpu.memory_space<vmem>>, vector<16xf32>,
      %get3A_549 = arith.constant 17 : index
      %get3A_550 = tpu.vector_load %arg19[%get3A_549] {strides = array<i32>} : memref<64xi32, #tpu.memory_space<vmem>>, vector<16xi32>,
      %get3A_551 = arith.constant 15 : index
      %get3A_552 = tpu.vector_load %arg19[%get3A_551] {strides = array<i32>} : memref<64xi32, #tpu.memory_space<vmem>>, vector<16xi32>,
      %get3A_553 = arith.constant 33 : index
      %get3A_554 = tpu.vector_load %arg19[%get3A_553] {strides = array<i32>} : memref<64xi32, #tpu.memory_space<vmem>>, vector<16xi32>,
      %get3A_555 = arith.constant 31 : index
      %get3A_556 = tpu.vector_load %arg19[%get3A_555] {strides = array<i32>} : memref<64xi32, #tpu.memory_space<vmem>>, vector<16xi32>,
      %eq3A_557 = arith.cmpf oeq, %while3A_202#4, %get3A_542 : vector<16xf32>
      %and3A_558 = arith.andi %eq3A_540, %eq3A_557 : vector<16xi1>
      %gt3A_559 = arith.cmpi sgt, %select_n3A_518, %get3A_550 : vector<16xi32>
      %and3A_560 = arith.andi %and3A_558, %gt3A_559 : vector<16xi1>
      %not3A_561 = arith.constant dense<true> : vector<16xi1>
      %not3A_562 = arith.xori %eq3A_540, %not3A_561 : vector<16xi1>
      %eq3A_563 = arith.cmpf oeq, %get3A_544, %while3A_202#4 : vector<16xf32>
      %and3A_564 = arith.andi %not3A_562, %eq3A_563 : vector<16xi1>
      %gt3A_565 = arith.cmpi sgt, %get3A_552, %select_n3A_518 : vector<16xi32>
      %and3A_566 = arith.andi %and3A_564, %gt3A_565 : vector<16xi1>
      %select_n3A_567 = arith.select %and3A_566, %get3A_552, %select_n3A_518 : vector<16xi1>, vector<16xi32>
      %select_n3A_568 = arith.select %and3A_560, %get3A_550, %select_n3A_567 : vector<16xi1>, vector<16xi32>
      %eq3A_569 = arith.cmpf oeq, %while3A_202#6, %get3A_546 : vector<16xf32>
      %and3A_570 = arith.andi %eq3A_540, %eq3A_569 : vector<16xi1>
      %gt3A_571 = arith.cmpi sgt, %select_n3A_530, %get3A_554 : vector<16xi32>
      %and3A_572 = arith.andi %and3A_570, %gt3A_571 : vector<16xi1>
      %not3A_573 = arith.constant dense<true> : vector<16xi1>
      %not3A_574 = arith.xori %eq3A_540, %not3A_573 : vector<16xi1>
      %eq3A_575 = arith.cmpf oeq, %get3A_548, %while3A_202#6 : vector<16xf32>
      %and3A_576 = arith.andi %not3A_574, %eq3A_575 : vector<16xi1>
      %gt3A_577 = arith.cmpi sgt, %get3A_556, %select_n3A_530 : vector<16xi32>
      %and3A_578 = arith.andi %and3A_576, %gt3A_577 : vector<16xi1>
      %select_n3A_579 = arith.select %and3A_578, %get3A_556, %select_n3A_530 : vector<16xi1>, vector<16xi32>
      %select_n3A_580 = arith.select %and3A_572, %get3A_554, %select_n3A_579 : vector<16xi1>, vector<16xi32>
      %gather3A_581 = tpu.vector_load_idx %arg10[%select_n3A_568] : memref<4096xf32, #tpu.memory_space<vmem>>[vector<16xi32>], vector<16xf32>,
      %gather3A_582 = tpu.vector_load_idx %arg11[%select_n3A_568] : memref<4096xf32, #tpu.memory_space<vmem>>[vector<16xi32>], vector<16xf32>,
      %gather3A_583 = tpu.vector_load_idx %arg12[%select_n3A_568] : memref<4096xf32, #tpu.memory_space<vmem>>[vector<16xi32>], vector<16xf32>,
      %sub3A_584 = arith.subf %gather3A_581, %gather3A_111 : vector<16xf32>
      %sub3A_585 = arith.subf %gather3A_582, %gather3A_112 : vector<16xf32>
      %sub3A_586 = arith.subf %gather3A_583, %gather3A_113 : vector<16xf32>
      %mul3A_587 = arith.mulf %sub3A_584, %sub3A_584 : vector<16xf32>
      %mul3A_588 = arith.mulf %sub3A_585, %sub3A_585 : vector<16xf32>
      %add3A_589 = arith.addf %mul3A_587, %mul3A_588 : vector<16xf32>
      %mul3A_590 = arith.mulf %sub3A_586, %sub3A_586 : vector<16xf32>
      %add3A_591 = arith.addf %add3A_589, %mul3A_590 : vector<16xf32>
      %ne3A_592 = arith.cmpi ne, %select_n3A_568, %broadcast_in_dim3A_110 : vector<16xi32>
      %jit3A_593 = arith.constant 1.000000e+00 : f32
      %broadcast_in_dim3A_594 = vector.broadcast %jit3A_593 : f32 to vector<16xf32>
      %select_n3A_595 = arith.select %ne3A_592, %add3A_591, %broadcast_in_dim3A_594 : vector<16xi1>, vector<16xf32>
      %bitcast3A_596 = vector.bitcast %select_n3A_595 : vector<16xf32> to vector<16xi32>
      %shift_right_arithmetic3A_597 = arith.constant 1 : i32
      %shift_right_arithmetic3A_598 = vector.broadcast %shift_right_arithmetic3A_597 : i32 to vector<16xi32>
      %shift_right_arithmetic3A_599 = arith.shrsi %bitcast3A_596, %shift_right_arithmetic3A_598 : vector<16xi32>
      %sub3A_600 = arith.constant 1597463007 : i32
      %sub3A_601 = vector.broadcast %sub3A_600 : i32 to vector<16xi32>
      %sub3A_602 = arith.subi %sub3A_601, %shift_right_arithmetic3A_599 : vector<16xi32>
      %bitcast3A_603 = vector.bitcast %sub3A_602 : vector<16xi32> to vector<16xf32>
      %mul3A_604 = arith.constant 5.000000e-01 : f32
      %mul3A_605 = vector.broadcast %mul3A_604 : f32 to vector<16xf32>
      %mul3A_606 = arith.mulf %mul3A_605, %select_n3A_595 : vector<16xf32>
      %mul3A_607 = arith.mulf %mul3A_606, %bitcast3A_603 : vector<16xf32>
      %mul3A_608 = arith.mulf %mul3A_607, %bitcast3A_603 : vector<16xf32>
      %sub3A_609 = arith.constant 1.500000e+00 : f32
      %sub3A_610 = vector.broadcast %sub3A_609 : f32 to vector<16xf32>
      %sub3A_611 = arith.subf %sub3A_610, %mul3A_608 : vector<16xf32>
      %mul3A_612 = arith.mulf %bitcast3A_603, %sub3A_611 : vector<16xf32>
      %mul3A_613 = arith.constant 5.000000e-01 : f32
      %mul3A_614 = vector.broadcast %mul3A_613 : f32 to vector<16xf32>
      %mul3A_615 = arith.mulf %mul3A_614, %select_n3A_595 : vector<16xf32>
      %mul3A_616 = arith.mulf %mul3A_615, %mul3A_612 : vector<16xf32>
      %mul3A_617 = arith.mulf %mul3A_616, %mul3A_612 : vector<16xf32>
      %sub3A_618 = arith.constant 1.500000e+00 : f32
      %sub3A_619 = vector.broadcast %sub3A_618 : f32 to vector<16xf32>
      %sub3A_620 = arith.subf %sub3A_619, %mul3A_617 : vector<16xf32>
      %mul3A_621 = arith.mulf %mul3A_612, %sub3A_620 : vector<16xf32>
      %mul3A_622 = arith.constant 5.000000e-01 : f32
      %mul3A_623 = vector.broadcast %mul3A_622 : f32 to vector<16xf32>
      %mul3A_624 = arith.mulf %mul3A_623, %select_n3A_595 : vector<16xf32>
      %mul3A_625 = arith.mulf %mul3A_624, %mul3A_621 : vector<16xf32>
      %mul3A_626 = arith.mulf %mul3A_625, %mul3A_621 : vector<16xf32>
      %sub3A_627 = arith.constant 1.500000e+00 : f32
      %sub3A_628 = vector.broadcast %sub3A_627 : f32 to vector<16xf32>
      %sub3A_629 = arith.subf %sub3A_628, %mul3A_626 : vector<16xf32>
      %mul3A_630 = arith.mulf %mul3A_621, %sub3A_629 : vector<16xf32>
      %mul3A_631 = arith.constant 5.000000e-01 : f32
      %mul3A_632 = vector.broadcast %mul3A_631 : f32 to vector<16xf32>
      %mul3A_633 = arith.mulf %mul3A_632, %select_n3A_595 : vector<16xf32>
      %mul3A_634 = arith.mulf %mul3A_633, %mul3A_630 : vector<16xf32>
      %mul3A_635 = arith.mulf %mul3A_634, %mul3A_630 : vector<16xf32>
      %sub3A_636 = arith.constant 1.500000e+00 : f32
      %sub3A_637 = vector.broadcast %sub3A_636 : f32 to vector<16xf32>
      %sub3A_638 = arith.subf %sub3A_637, %mul3A_635 : vector<16xf32>
      %mul3A_639 = arith.mulf %mul3A_630, %sub3A_638 : vector<16xf32>
      %mul3A_640 = arith.mulf %select_n3A_595, %mul3A_639 : vector<16xf32>
      %jit3A_641 = arith.constant 0.000000e+00 : f32
      %broadcast_in_dim3A_642 = vector.broadcast %jit3A_641 : f32 to vector<16xf32>
      %select_n3A_643 = arith.select %ne3A_592, %mul3A_640, %broadcast_in_dim3A_642 : vector<16xi1>, vector<16xf32>
      %mul3A_644 = arith.constant 2 : i32
      %mul3A_645 = arith.muli %scan3A_23, %mul3A_644 : i32
      %add3A_646 = arith.constant 1 : i32
      %add3A_647 = arith.addi %mul3A_645, %add3A_646 : i32
      %mul3A_648 = arith.constant 32 : i32
      %mul3A_649 = arith.muli %add3A_647, %mul3A_648 : i32
      %add3A_650 = arith.constant 0 : i32
      %add3A_651 = arith.addi %mul3A_649, %add3A_650 : i32
      %add3A_652 = vector.broadcast %add3A_651 : i32 to vector<16xi32>
      %add3A_653 = arith.addi %add3A_652, %iota3A : vector<16xi32>
      %broadcast_in_dim3A_654 = arith.constant 0 : i32
      %broadcast_in_dim3A_655 = vector.broadcast %broadcast_in_dim3A_654 : i32 to vector<16xi32>
      tpu.vector_store_idx %arg15[%broadcast_in_dim3A_655, %add3A_653], %select_n3A_568 : memref<2x4096xi32, #tpu.memory_space<vmem>>[vector<16xi32>, vector<16xi32>], vector<16xi32>,
      %broadcast_in_dim3A_656 = arith.constant 1 : i32
      %broadcast_in_dim3A_657 = vector.broadcast %broadcast_in_dim3A_656 : i32 to vector<16xi32>
      tpu.vector_store_idx %arg15[%broadcast_in_dim3A_657, %add3A_653], %broadcast_in_dim3A_110 : memref<2x4096xi32, #tpu.memory_space<vmem>>[vector<16xi32>, vector<16xi32>], vector<16xi32>,
      %swap3A_658 = arith.index_cast %add3A_651 : i32 to index
      %swap3A_659 = tpu.vector_load %arg16[%swap3A_658] {strides = array<i32>} : memref<4096xf32, #tpu.memory_space<vmem>>, vector<16xf32>,
      tpu.vector_store %arg16[%swap3A_658], %select_n3A_643 {strides = array<i32>} : memref<4096xf32, #tpu.memory_space<vmem>>, vector<16xf32>,
      %and3A_660 = arith.constant 511 : i32
      %and3A_661 = arith.andi %add3A_651, %and3A_660 : i32
      %add3A_662 = vector.broadcast %and3A_661 : i32 to vector<16xi32>
      %add3A_663 = arith.addi %add3A_662, %iota3A : vector<16xi32>
      %broadcast_in_dim3A_664 = arith.constant 0 : i32
      %broadcast_in_dim3A_665 = vector.broadcast %broadcast_in_dim3A_664 : i32 to vector<16xi32>
      tpu.vector_store_idx %arg17[%add3A_663, %broadcast_in_dim3A_665], %sub3A_584 : memref<512x3xf32, #tpu.memory_space<vmem>>[vector<16xi32>, vector<16xi32>], vector<16xf32>,
      %broadcast_in_dim3A_666 = arith.constant 1 : i32
      %broadcast_in_dim3A_667 = vector.broadcast %broadcast_in_dim3A_666 : i32 to vector<16xi32>
      tpu.vector_store_idx %arg17[%add3A_663, %broadcast_in_dim3A_667], %sub3A_585 : memref<512x3xf32, #tpu.memory_space<vmem>>[vector<16xi32>, vector<16xi32>], vector<16xf32>,
      %broadcast_in_dim3A_668 = arith.constant 2 : i32
      %broadcast_in_dim3A_669 = vector.broadcast %broadcast_in_dim3A_668 : i32 to vector<16xi32>
      tpu.vector_store_idx %arg17[%add3A_663, %broadcast_in_dim3A_669], %sub3A_586 : memref<512x3xf32, #tpu.memory_space<vmem>>[vector<16xi32>, vector<16xi32>], vector<16xf32>,
      %gather3A_670 = tpu.vector_load_idx %arg10[%select_n3A_580] : memref<4096xf32, #tpu.memory_space<vmem>>[vector<16xi32>], vector<16xf32>,
      %gather3A_671 = tpu.vector_load_idx %arg11[%select_n3A_580] : memref<4096xf32, #tpu.memory_space<vmem>>[vector<16xi32>], vector<16xf32>,
      %gather3A_672 = tpu.vector_load_idx %arg12[%select_n3A_580] : memref<4096xf32, #tpu.memory_space<vmem>>[vector<16xi32>], vector<16xf32>,
      %sub3A_673 = arith.subf %gather3A_670, %gather3A_111 : vector<16xf32>
      %sub3A_674 = arith.subf %gather3A_671, %gather3A_112 : vector<16xf32>
      %sub3A_675 = arith.subf %gather3A_672, %gather3A_113 : vector<16xf32>
      %mul3A_676 = arith.mulf %sub3A_673, %sub3A_673 : vector<16xf32>
      %mul3A_677 = arith.mulf %sub3A_674, %sub3A_674 : vector<16xf32>
      %add3A_678 = arith.addf %mul3A_676, %mul3A_677 : vector<16xf32>
      %mul3A_679 = arith.mulf %sub3A_675, %sub3A_675 : vector<16xf32>
      %add3A_680 = arith.addf %add3A_678, %mul3A_679 : vector<16xf32>
      %ne3A_681 = arith.cmpi ne, %select_n3A_580, %broadcast_in_dim3A_110 : vector<16xi32>
      %jit3A_682 = arith.constant 1.000000e+00 : f32
      %broadcast_in_dim3A_683 = vector.broadcast %jit3A_682 : f32 to vector<16xf32>
      %select_n3A_684 = arith.select %ne3A_681, %add3A_680, %broadcast_in_dim3A_683 : vector<16xi1>, vector<16xf32>
      %bitcast3A_685 = vector.bitcast %select_n3A_684 : vector<16xf32> to vector<16xi32>
      %shift_right_arithmetic3A_686 = arith.constant 1 : i32
      %shift_right_arithmetic3A_687 = vector.broadcast %shift_right_arithmetic3A_686 : i32 to vector<16xi32>
      %shift_right_arithmetic3A_688 = arith.shrsi %bitcast3A_685, %shift_right_arithmetic3A_687 : vector<16xi32>
      %sub3A_689 = arith.constant 1597463007 : i32
      %sub3A_690 = vector.broadcast %sub3A_689 : i32 to vector<16xi32>
      %sub3A_691 = arith.subi %sub3A_690, %shift_right_arithmetic3A_688 : vector<16xi32>
      %bitcast3A_692 = vector.bitcast %sub3A_691 : vector<16xi32> to vector<16xf32>
      %mul3A_693 = arith.constant 5.000000e-01 : f32
      %mul3A_694 = vector.broadcast %mul3A_693 : f32 to vector<16xf32>
      %mul3A_695 = arith.mulf %mul3A_694, %select_n3A_684 : vector<16xf32>
      %mul3A_696 = arith.mulf %mul3A_695, %bitcast3A_692 : vector<16xf32>
      %mul3A_697 = arith.mulf %mul3A_696, %bitcast3A_692 : vector<16xf32>
      %sub3A_698 = arith.constant 1.500000e+00 : f32
      %sub3A_699 = vector.broadcast %sub3A_698 : f32 to vector<16xf32>
      %sub3A_700 = arith.subf %sub3A_699, %mul3A_697 : vector<16xf32>
      %mul3A_701 = arith.mulf %bitcast3A_692, %sub3A_700 : vector<16xf32>
      %mul3A_702 = arith.constant 5.000000e-01 : f32
      %mul3A_703 = vector.broadcast %mul3A_702 : f32 to vector<16xf32>
      %mul3A_704 = arith.mulf %mul3A_703, %select_n3A_684 : vector<16xf32>
      %mul3A_705 = arith.mulf %mul3A_704, %mul3A_701 : vector<16xf32>
      %mul3A_706 = arith.mulf %mul3A_705, %mul3A_701 : vector<16xf32>
      %sub3A_707 = arith.constant 1.500000e+00 : f32
      %sub3A_708 = vector.broadcast %sub3A_707 : f32 to vector<16xf32>
      %sub3A_709 = arith.subf %sub3A_708, %mul3A_706 : vector<16xf32>
      %mul3A_710 = arith.mulf %mul3A_701, %sub3A_709 : vector<16xf32>
      %mul3A_711 = arith.constant 5.000000e-01 : f32
      %mul3A_712 = vector.broadcast %mul3A_711 : f32 to vector<16xf32>
      %mul3A_713 = arith.mulf %mul3A_712, %select_n3A_684 : vector<16xf32>
      %mul3A_714 = arith.mulf %mul3A_713, %mul3A_710 : vector<16xf32>
      %mul3A_715 = arith.mulf %mul3A_714, %mul3A_710 : vector<16xf32>
      %sub3A_716 = arith.constant 1.500000e+00 : f32
      %sub3A_717 = vector.broadcast %sub3A_716 : f32 to vector<16xf32>
      %sub3A_718 = arith.subf %sub3A_717, %mul3A_715 : vector<16xf32>
      %mul3A_719 = arith.mulf %mul3A_710, %sub3A_718 : vector<16xf32>
      %mul3A_720 = arith.constant 5.000000e-01 : f32
      %mul3A_721 = vector.broadcast %mul3A_720 : f32 to vector<16xf32>
      %mul3A_722 = arith.mulf %mul3A_721, %select_n3A_684 : vector<16xf32>
      %mul3A_723 = arith.mulf %mul3A_722, %mul3A_719 : vector<16xf32>
      %mul3A_724 = arith.mulf %mul3A_723, %mul3A_719 : vector<16xf32>
      %sub3A_725 = arith.constant 1.500000e+00 : f32
      %sub3A_726 = vector.broadcast %sub3A_725 : f32 to vector<16xf32>
      %sub3A_727 = arith.subf %sub3A_726, %mul3A_724 : vector<16xf32>
      %mul3A_728 = arith.mulf %mul3A_719, %sub3A_727 : vector<16xf32>
      %mul3A_729 = arith.mulf %select_n3A_684, %mul3A_728 : vector<16xf32>
      %jit3A_730 = arith.constant 0.000000e+00 : f32
      %broadcast_in_dim3A_731 = vector.broadcast %jit3A_730 : f32 to vector<16xf32>
      %select_n3A_732 = arith.select %ne3A_681, %mul3A_729, %broadcast_in_dim3A_731 : vector<16xi1>, vector<16xf32>
      %mul3A_733 = arith.constant 2 : i32
      %mul3A_734 = arith.muli %scan3A_23, %mul3A_733 : i32
      %add3A_735 = arith.constant 1 : i32
      %add3A_736 = arith.addi %mul3A_734, %add3A_735 : i32
      %mul3A_737 = arith.constant 32 : i32
      %mul3A_738 = arith.muli %add3A_736, %mul3A_737 : i32
      %add3A_739 = arith.constant 16 : i32
      %add3A_740 = arith.addi %mul3A_738, %add3A_739 : i32
      %add3A_741 = vector.broadcast %add3A_740 : i32 to vector<16xi32>
      %add3A_742 = arith.addi %add3A_741, %iota3A : vector<16xi32>
      %broadcast_in_dim3A_743 = arith.constant 0 : i32
      %broadcast_in_dim3A_744 = vector.broadcast %broadcast_in_dim3A_743 : i32 to vector<16xi32>
      tpu.vector_store_idx %arg15[%broadcast_in_dim3A_744, %add3A_742], %select_n3A_580 : memref<2x4096xi32, #tpu.memory_space<vmem>>[vector<16xi32>, vector<16xi32>], vector<16xi32>,
      %broadcast_in_dim3A_745 = arith.constant 1 : i32
      %broadcast_in_dim3A_746 = vector.broadcast %broadcast_in_dim3A_745 : i32 to vector<16xi32>
      tpu.vector_store_idx %arg15[%broadcast_in_dim3A_746, %add3A_742], %broadcast_in_dim3A_110 : memref<2x4096xi32, #tpu.memory_space<vmem>>[vector<16xi32>, vector<16xi32>], vector<16xi32>,
      %swap3A_747 = arith.index_cast %add3A_740 : i32 to index
      %swap3A_748 = tpu.vector_load %arg16[%swap3A_747] {strides = array<i32>} : memref<4096xf32, #tpu.memory_space<vmem>>, vector<16xf32>,
      tpu.vector_store %arg16[%swap3A_747], %select_n3A_732 {strides = array<i32>} : memref<4096xf32, #tpu.memory_space<vmem>>, vector<16xf32>,
      %and3A_749 = arith.constant 511 : i32
      %and3A_750 = arith.andi %add3A_740, %and3A_749 : i32
      %add3A_751 = vector.broadcast %and3A_750 : i32 to vector<16xi32>
      %add3A_752 = arith.addi %add3A_751, %iota3A : vector<16xi32>
      %broadcast_in_dim3A_753 = arith.constant 0 : i32
      %broadcast_in_dim3A_754 = vector.broadcast %broadcast_in_dim3A_753 : i32 to vector<16xi32>
      tpu.vector_store_idx %arg17[%add3A_752, %broadcast_in_dim3A_754], %sub3A_673 : memref<512x3xf32, #tpu.memory_space<vmem>>[vector<16xi32>, vector<16xi32>], vector<16xf32>,
      %broadcast_in_dim3A_755 = arith.constant 1 : i32
      %broadcast_in_dim3A_756 = vector.broadcast %broadcast_in_dim3A_755 : i32 to vector<16xi32>
      tpu.vector_store_idx %arg17[%add3A_752, %broadcast_in_dim3A_756], %sub3A_674 : memref<512x3xf32, #tpu.memory_space<vmem>>[vector<16xi32>, vector<16xi32>], vector<16xf32>,
      %broadcast_in_dim3A_757 = arith.constant 2 : i32
      %broadcast_in_dim3A_758 = vector.broadcast %broadcast_in_dim3A_757 : i32 to vector<16xi32>
      tpu.vector_store_idx %arg17[%add3A_752, %broadcast_in_dim3A_758], %sub3A_675 : memref<512x3xf32, #tpu.memory_space<vmem>>[vector<16xi32>, vector<16xi32>], vector<16xf32>,
      %jit3A_759 = arith.constant 8 : i32
      %eq3A_760 = arith.constant 0 : i32
      %eq3A_761 = arith.cmpi eq, %jit3A_759, %eq3A_760 : i32
      %jit3A_762 = arith.constant 1 : i32
      %select_n3A_763 = arith.select %eq3A_761, %jit3A_762, %jit3A_759 : i32
      %rem3A = arith.remsi %scan3A_23, %select_n3A_763 : i32
      %ne3A_764 = arith.constant 0 : i32
      %ne3A_765 = arith.cmpi ne, %rem3A, %ne3A_764 : i32
      %lt3A = arith.constant 0 : i32
      %lt3A_766 = arith.cmpi slt, %rem3A, %lt3A : i32
      %lt3A_767 = arith.constant 0 : i32
      %lt3A_768 = arith.cmpi slt, %select_n3A_763, %lt3A_767 : i32
      %ne3A_769 = arith.xori %lt3A_766, %lt3A_768 : i1
      %and3A_770 = arith.andi %ne3A_769, %ne3A_765 : i1
      %add3A_771 = arith.addi %rem3A, %select_n3A_763 : i32
      %select_n3A_772 = arith.select %and3A_770, %add3A_771, %rem3A : i32
      %eq3A_773 = arith.constant 7 : i32
      %eq3A_774 = arith.cmpi eq, %select_n3A_772, %eq3A_773 : i32
      %convert_element_type3A = arith.extui %eq3A_774 : i1 to i32
      %cond3A = arith.constant 0 : i32
      %cond3A_775 = arith.cmpi ne, %convert_element_type3A, %cond3A : i32
      scf.if %cond3A_775 {
        %jit3A_777 = arith.constant 8 : i32
        %div3A = arith.divsi %scan3A_23, %jit3A_777 : i32
        %sign3A = arith.constant 0 : i32
        %sign3A_778 = arith.cmpi sgt, %scan3A_23, %sign3A : i32
        %sign3A_779 = arith.extui %sign3A_778 : i1 to i32
        %sign3A_780 = arith.constant 0 : i32
        %sign3A_781 = arith.cmpi slt, %scan3A_23, %sign3A_780 : i32
        %sign3A_782 = arith.extui %sign3A_781 : i1 to i32
        %sign3A_783 = arith.subi %sign3A_779, %sign3A_782 : i32
        %sign3A_784 = arith.constant 0 : i32
        %sign3A_785 = arith.cmpi sgt, %jit3A_777, %sign3A_784 : i32
        %sign3A_786 = arith.extui %sign3A_785 : i1 to i32
        %sign3A_787 = arith.constant 0 : i32
        %sign3A_788 = arith.cmpi slt, %jit3A_777, %sign3A_787 : i32
        %sign3A_789 = arith.extui %sign3A_788 : i1 to i32
        %sign3A_790 = arith.subi %sign3A_786, %sign3A_789 : i32
        %ne3A_791 = arith.cmpi ne, %sign3A_783, %sign3A_790 : i32
        %rem3A_792 = arith.remsi %scan3A_23, %jit3A_777 : i32
        %ne3A_793 = arith.constant 0 : i32
        %ne3A_794 = arith.cmpi ne, %rem3A_792, %ne3A_793 : i32
        %and3A_795 = arith.andi %ne3A_791, %ne3A_794 : i1
        %sub3A_796 = arith.constant 1 : i32
        %sub3A_797 = arith.subi %div3A, %sub3A_796 : i32
        %select_n3A_798 = arith.select %and3A_795, %sub3A_797, %div3A : i32
        %mul3A_799 = arith.constant 4096 : i32
        %mul3A_800 = arith.muli %add3A, %mul3A_799 : i32
        %mul3A_801 = arith.constant 512 : i32
        %mul3A_802 = arith.muli %select_n3A_798, %mul3A_801 : i32
        %add3A_803 = arith.addi %mul3A_800, %mul3A_802 : i32
        "tpu.region"() ({
          %run_scoped3A = tpu.sem_alloc : memref<!tpu.dma_semaphore, #tpu.memory_space<semaphore_mem>>
          %dma_start3A = arith.constant 0 : i32
          %dma_start3A_804 = tpu.memref_slice %arg9[%add3A_803, %dma_start3A] : memref<131072x3xf32, #tpu.memory_space<hbm>> -> memref<512x3xf32, #tpu.memory_space<hbm>>
          %dma_start3A_805 = arith.constant 0 : i32
          %dma_start3A_806 = tpu.memref_slice %arg9[%add3A_803, %dma_start3A_805] : memref<131072x3xf32, #tpu.memory_space<hbm>> -> memref<512x3xf32, #tpu.memory_space<hbm>>
          tpu.enqueue_dma source(%arg17 : memref<512x3xf32, #tpu.memory_space<vmem>>) target(%dma_start3A_806 : memref<512x3xf32, #tpu.memory_space<hbm>>) target_semaphore(%run_scoped3A : memref<!tpu.dma_semaphore, #tpu.memory_space<semaphore_mem>>)
          %dma_wait3A = arith.constant 0 : i32
          %dma_wait3A_807 = tpu.memref_slice %arg9[%add3A_803, %dma_wait3A] : memref<131072x3xf32, #tpu.memory_space<hbm>> -> memref<512x3xf32, #tpu.memory_space<hbm>>
          %dma_wait3A_808 = arith.constant 0 : i32
          %dma_wait3A_809 = tpu.memref_slice %arg9[%add3A_803, %dma_wait3A_808] : memref<131072x3xf32, #tpu.memory_space<hbm>> -> memref<512x3xf32, #tpu.memory_space<hbm>>
          tpu.wait_dma2 semaphore(%run_scoped3A : memref<!tpu.dma_semaphore, #tpu.memory_space<semaphore_mem>>) src(%arg17 : memref<512x3xf32, #tpu.memory_space<vmem>>) dst(%dma_wait3A_809 : memref<512x3xf32, #tpu.memory_space<hbm>>)
          tpu.yield
        }) : () -> ()
      } else {
      }
      %scan3A_776 = arith.constant 0 : i32
      scf.yield %scan3A_776 : i32
    }
    %scan3A_20 = arith.constant 64 : i32
    %mul3A_21 = arith.constant 4096 : i32
    %mul3A_22 = arith.muli %add3A, %mul3A_21 : i32
    "tpu.region"() ({
      %run_scoped3A = tpu.sem_alloc : memref<!tpu.dma_semaphore, #tpu.memory_space<semaphore_mem>>
      %dma_start3A = arith.constant 0 : i32
      %dma_start3A_23 = tpu.memref_slice %arg7[%dma_start3A, %mul3A_22] : memref<2x131072xi32, #tpu.memory_space<hbm>> -> memref<2x4096xi32, #tpu.memory_space<hbm>>
      %dma_start3A_24 = arith.constant 0 : i32
      %dma_start3A_25 = tpu.memref_slice %arg7[%dma_start3A_24, %mul3A_22] : memref<2x131072xi32, #tpu.memory_space<hbm>> -> memref<2x4096xi32, #tpu.memory_space<hbm>>
      tpu.enqueue_dma source(%arg15 : memref<2x4096xi32, #tpu.memory_space<vmem>>) target(%dma_start3A_25 : memref<2x4096xi32, #tpu.memory_space<hbm>>) target_semaphore(%run_scoped3A : memref<!tpu.dma_semaphore, #tpu.memory_space<semaphore_mem>>)
      %dma_wait3A = arith.constant 0 : i32
      %dma_wait3A_26 = tpu.memref_slice %arg7[%dma_wait3A, %mul3A_22] : memref<2x131072xi32, #tpu.memory_space<hbm>> -> memref<2x4096xi32, #tpu.memory_space<hbm>>
      %dma_wait3A_27 = arith.constant 0 : i32
      %dma_wait3A_28 = tpu.memref_slice %arg7[%dma_wait3A_27, %mul3A_22] : memref<2x131072xi32, #tpu.memory_space<hbm>> -> memref<2x4096xi32, #tpu.memory_space<hbm>>
      tpu.wait_dma2 semaphore(%run_scoped3A : memref<!tpu.dma_semaphore, #tpu.memory_space<semaphore_mem>>) src(%arg15 : memref<2x4096xi32, #tpu.memory_space<vmem>>) dst(%dma_wait3A_28 : memref<2x4096xi32, #tpu.memory_space<hbm>>)
      tpu.yield
    }) : () -> ()
    "tpu.region"() ({
      %run_scoped3A = tpu.sem_alloc : memref<!tpu.dma_semaphore, #tpu.memory_space<semaphore_mem>>
      %dma_start3A = tpu.memref_slice %arg8[%mul3A_22] : memref<131072xf32, #tpu.memory_space<hbm>> -> memref<4096xf32, #tpu.memory_space<hbm>>
      %dma_start3A_23 = tpu.memref_slice %arg8[%mul3A_22] : memref<131072xf32, #tpu.memory_space<hbm>> -> memref<4096xf32, #tpu.memory_space<hbm>>
      tpu.enqueue_dma source(%arg16 : memref<4096xf32, #tpu.memory_space<vmem>>) target(%dma_start3A_23 : memref<4096xf32, #tpu.memory_space<hbm>>) target_semaphore(%run_scoped3A : memref<!tpu.dma_semaphore, #tpu.memory_space<semaphore_mem>>)
      %dma_wait3A = tpu.memref_slice %arg8[%mul3A_22] : memref<131072xf32, #tpu.memory_space<hbm>> -> memref<4096xf32, #tpu.memory_space<hbm>>
      %dma_wait3A_24 = tpu.memref_slice %arg8[%mul3A_22] : memref<131072xf32, #tpu.memory_space<hbm>> -> memref<4096xf32, #tpu.memory_space<hbm>>
      tpu.wait_dma2 semaphore(%run_scoped3A : memref<!tpu.dma_semaphore, #tpu.memory_space<semaphore_mem>>) src(%arg16 : memref<4096xf32, #tpu.memory_space<vmem>>) dst(%dma_wait3A_24 : memref<4096xf32, #tpu.memory_space<hbm>>)
      tpu.yield
    }) : () -> ()
    return
  }
}

</mosaic_0001>

<sc_bundles>
// kernel: kernel.3.cloned.1.call-start
scs
__scs_entry_jumppad:
0x0: {  	(pc) =	sbr.rel $0x88, $3  }
0x1: {  	(tag) =	ssettag $0x0;
	lr =	simm.s32 $0x1  }
0x2: {  	[smem:$0x3F9F] =	sst lr;
	_ =	strace $0xD0000000  }
0x3: {  	_ = 	snop  }
0x4: {  	_ = 	snop  }
0x5: {  	_ = 	snop  }
0x6: {  	_ = 	snop  }
0x7: {  	_ = 	snop  }
__scs_overlays_trampoline_lowered:
0x8: {  	[smem:$0x3FAE] =	sst s0  }
0x9: {  	[smem:$0x3FAF] =	sst s1  }
0xa: {  	[smem:$0x3FB0] =	sst s2  }
0xb: {  	[smem:$0x3FB1] =	sst s3  }
0xc: {  	[smem:$0x3FB2] =	sst s4  }
0xd: {  	[smem:$0x3FB3] =	sst s5  }
0xe: {  	[smem:$0x3FB4] =	sst s6  }
0xf: {  	[smem:$0x3FB5] =	sst s7  }
0x10: {  	[smem:$0x3FB6] =	sst s8  }
0x11: {  	[smem:$0x3FB7] =	sst s9;
	s0 =	simm.s32 @!p0 $0x0  }
0x12: {  	s1 =	sld [smem:$0x3F9D];
	s0 =	simm.s32 @p0 $0x1  }
0x13: {  	[smem:$0x3FB8] =	sst s0;
	s0 =	simm.s32 @!p1 $0x0  }
0x14: {  	s2 =	sld [smem:$0x3F9C];
	s0 =	simm.s32 @p1 $0x1  }
0x15: {  	[smem:$0x3FB9] =	sst s0;
	s0 =	simm.s32 @!p2 $0x0  }
0x16: {  	s3 =	sld [smem:$0x3FDB];
	s0 =	simm.s32 @p2 $0x1  }
0x17: {  	s4 =	simm.s32 $0x1BF5;
	[smem:$0x3FBB] =	sst s0  }
0x18: {  	s0 =	sld [smem:$0x3F9E];
	_ =	swait.ge [sflag:s4], $0x0  }
0x19: {  	s7 =	sld [smem:$0x3F9F]  }
0x1a: {  	s8 =	sadd.s32 $0xFFFFE003, lr  }
0x1b: {  	s9 =	sadd.s32 $0xFFFFFEF7, lr;
	s5 =	simm.s32 $0xFFFFFFFF;
	p2 =	slt.u32 s8, $0xFFFFF086  }
0x1c: {  	p1 =	slt.u32 s9, $0xF7A;
	s5 =	simm.s32 @!p2 $0x0  }
0x1d: {  	s5 =	simm.s32 @p1 $0x1;
	p0 =	seq.s32 s7, s2  }
0x1e: {  	s7 =	smul.u32 @!p0 $0xF7A, s2;
	p2 =	seq.s32 @!p0 s5, $0x0  }
0x1f: {  	s9 =	smul.u32 $0xF7A, s1;
	s8 =	simm.s32 @!p0 $0x1BF5;
	p2 =	por !p2, p0  }
0x20: {  	[sflag:s8] =	ssyncset.s32 @!p0 $0xFFFFF086;
	s6 =	sadd.s32 @!p0 s3, s7;
	s7 =	simm.s32 @!p0 $0x108  }
0x21: {  	s3 =	sadd.s32 s3, s9;
	s6 =	sadd.s32 @!p0 $0x88, s6;
	s7 =	simm.s32 @p2 $0x1082  }
0x22: {  	[simem:s7], [sflag:s8] =	dma.local @!p0 [hbm:s6], $0xF7A  }
0x23: {  	s9 =	sor.u32 $0xD0000000, s2;
	s6 =	simm.s32 $0x108;
	_ =	swait.ge @!p0 [sflag:s8], $0x0  }
0x24: {  	s3 =	sadd.s32 $0x88, s3;
	s6 =	simm.s32 @!p1 $0x1082;
	[sflag:s4] =	ssyncset.s32 $0xFFFFF086  }
0x25: {  	[simem:s6], [sflag:s4] =	dma.local [hbm:s3], $0xF7A  }
0x26: {  	[smem:$0x3F9F] =	sst s1;
	(tag) =	ssettag s2;
	_ =	strace s9  }
0x27: {  	s1 =	sld [smem:$0x3FAF]  }
0x28: {  	s2 =	sld [smem:$0x3FB0]  }
0x29: {  	s4 =	sld [smem:$0x3FB2]  }
0x2a: {  	p0 =	seq.s32 s5, $0x0;
	s5 =	sld [smem:$0x3FB3]  }
0x2b: {  	s6 =	sld [smem:$0x3FB4]  }
0x2c: {  	s7 =	sld [smem:$0x3FB5]  }
0x2d: {  	s3 =	simm.s32 $0x108;
	s8 =	sld [smem:$0x3FB6]  }
0x2e: {  	s3 =	simm.s32 @!p0 $0x1082;
	s9 =	sld [smem:$0x3FB7]  }
0x2f: {  	lr =	sadd.s32 s0, s3;
	s0 =	sld [smem:$0x3FAE]  }
0x30: {  	s3 =	sld [smem:$0x3FB1]  }
0x31: {  	[smem:$0x3FBA] =	sst s10  }
0x32: {  	s10 =	sld [smem:$0x3FB8];
	_ =	sdelay $0x3  }
0x33: {  	p0 =	seq.s32 s10, $0x1;
	s10 =	sld [smem:$0x3FBA];
	_ =	sdelay $0x3  }
0x34: {  	[smem:$0x3FBA] =	sst s10  }
0x35: {  	s10 =	sld [smem:$0x3FB9];
	_ =	sdelay $0x3  }
0x36: {  	p1 =	seq.s32 s10, $0x1;
	s10 =	sld [smem:$0x3FBA];
	_ =	sdelay $0x3  }
0x37: {  	[smem:$0x3FBA] =	sst s10  }
0x38: {  	s10 =	sld [smem:$0x3FBB]  }
0x39: {  	_ = 	snop;
	(pc) =	sbr.ind lr, $3  }
0x3a: {  	_ = 	snop  }
0x3b: {  	_ = 	snop  }
0x3c: {  	p2 =	seq.s32 s10, $0x1;
	s10 =	sld [smem:$0x3FBA]  }
0x3d: {  	_ =	shalt  }
0x3e: {  	_ =	shalt  }
0x3f: {  	_ =	shalt  }
0x40: {  	_ =	shalt  }
0x41: {  	_ =	shalt  }
0x42: {  	_ =	shalt  }
0x43: {  	_ =	shalt  }
0x44: {  	_ =	shalt  }
0x45: {  	_ =	shalt  }
0x46: {  	_ =	shalt  }
0x47: {  	_ =	shalt  }
0x48: {  	_ =	shalt  }
0x49: {  	_ =	shalt  }
0x4a: {  	_ =	shalt  }
0x4b: {  	_ =	shalt  }
0x4c: {  	_ =	shalt  }
0x4d: {  	_ =	shalt  }
0x4e: {  	_ =	shalt  }
0x4f: {  	_ =	shalt  }
0x50: {  	_ =	shalt  }
0x51: {  	_ =	shalt  }
0x52: {  	_ =	shalt  }
0x53: {  	_ =	shalt  }
0x54: {  	_ =	shalt  }
0x55: {  	_ =	shalt  }
0x56: {  	_ =	shalt  }
0x57: {  	_ =	shalt  }
0x58: {  	_ =	shalt  }
0x59: {  	_ =	shalt  }
0x5a: {  	_ =	shalt  }
0x5b: {  	_ =	shalt  }
0x5c: {  	_ =	shalt  }
0x5d: {  	_ =	shalt  }
0x5e: {  	_ =	shalt  }
0x5f: {  	_ =	shalt  }
0x60: {  	_ =	shalt  }
0x61: {  	_ =	shalt  }
0x62: {  	_ =	shalt  }
0x63: {  	_ =	shalt  }
0x64: {  	_ =	shalt  }
0x65: {  	_ =	shalt  }
0x66: {  	_ =	shalt  }
0x67: {  	_ =	shalt  }
0x68: {  	_ =	shalt  }
0x69: {  	_ =	shalt  }
0x6a: {  	_ =	shalt  }
0x6b: {  	_ =	shalt  }
0x6c: {  	_ =	shalt  }
0x6d: {  	_ =	shalt  }
0x6e: {  	_ =	shalt  }
0x6f: {  	_ =	shalt  }
0x70: {  	_ =	shalt  }
0x71: {  	_ =	shalt  }
0x72: {  	_ =	shalt  }
0x73: {  	_ =	shalt  }
0x74: {  	_ =	shalt  }
0x75: {  	_ =	shalt  }
0x76: {  	_ =	shalt  }
0x77: {  	_ =	shalt  }
0x78: {  	_ =	shalt  }
0x79: {  	_ =	shalt  }
0x7a: {  	_ =	shalt  }
0x7b: {  	_ =	shalt  }
0x7c: {  	_ =	shalt  }
0x7d: {  	_ =	shalt  }
0x7e: {  	_ =	shalt  }
0x7f: {  	_ =	shalt  }
0x80: {  	_ =	shalt  }
0x81: {  	_ =	shalt  }
0x82: {  	_ =	shalt  }
0x83: {  	_ =	shalt  }
0x84: {  	_ =	shalt  }
0x85: {  	_ =	shalt  }
0x86: {  	_ =	shalt  }
0x87: {  	_ =	shalt  }
.Lfunc_end0:
.L_simem_size_0:
called_computation_lowered:
.L_overlay_start_0:
0x88: {  	s2 =	sld [smem:$0x3FD9]  }
0x89: {  	s3 =	sld [smem:$0x3FFE];
	_ =	sdelay $0x1  }
0x8a: {  	s1 =	srdreg.scid  }
0x8b: {  	s0 =	sand.u32 $0x1, s1  }
0x8c: {  	s14 =	sshll.u32 s0, $0xA;
	s2 =	sadd.s32 s3, s2  }
0x8d: {  	s2 =	sadd.s32 s2, s14  }
0x8e: {  	[smem:$0x3FC6] =	sst s2  }
0x8f: {  	_ = 	snop  }
0x90: {  	s2 =	sld [smem:$0x3FD0];
	_ =	sdelay $0x2  }
0x91: {  	s4 =	simm.s32 $0xA;
	s5 =	simm.s32 $0x10;
	s15 =	sld [smem:$0x3FC8]  }
0x92: {  	[smem:s5], [sflag:s4] =	dma.local [hbm:s2], $0x1  }
0x93: {  	_ =	swait.eq [sflag:s4], $0x1  }
0x94: {  	s16 =	sld [smem:$0x10];
	[sflag:s4] =	ssyncset.done $0x0  }
0x95: {  	s17 =	sld [smem:$0x11];
	[sflag:s4] =	ssyncadd.s32 $0xFFFFFFFF  }
0x96: {  	s18 =	sld [smem:$0x12];
	(tm) =	ssettm $0x1  }
0x97: {  	s6 =	sld [smem:$0x3FFB];
	_ =	sdelay $0x3  }
0x98: {  	_ =	strace s6  }
0x99: {  	s6 =	sld [smem:$0x3FFC];
	_ =	sdelay $0x3  }
0x9a: {  	_ =	strace s6  }
0x9b: {  	s6 =	sld [smem:$0x3FFD];
	_ =	sdelay $0x3  }
0x9c: {  	_ =	strace s6  }
0x9d: {  	_ =	strace $0x8FFFFFFF  }
0x9e: {  	s19 =	sld [smem:$0x3FDB];
	_ =	sdelay $0x1  }
0x9f: {  	s7 =	simm.s32 $_scs_section_size  }
0xa0: {  	s8 =	simm.s32 $_size__tile_overlayer_lowered;
	s9 =	simm.s32 $_tile_overlayer_lowered  }
0xa1: {  	s22 =	simm.s32 $0x1BFF;
	s21 =	sshll.u32 s9, $0x1;
	s6 =	sadd.s32 s7, s19  }
0xa2: {  	s10 =	simm.s32 $0x0;
	s20 =	sshll.u32 s8, $0x1;
	s8 =	sadd.s32 s21, s6  }
0xa3: {  	[timem:s10], [sflag:s22] =	dma.local [hbm:s8], s20  }
0xa4: {  	_ =	swait.ge [sflag:s22], s20  }
0xa5: {  	s7 =	ssub.s32 $0x0, s20;
	[sflag:s22] =	ssyncset.done $0x0  }
0xa6: {  	[sflag:s22] =	ssyncadd.s32 s7;
	_ =	sdelay $0x1  }
0xa7: {  	s23 =	simm.s32 $0x1B8B  }
0xa8: {  	_ =	swait.ge [sflag:s23], $0x1  }
0xa9: {  	[sflag:s23] =	ssyncset.done $0x0  }
0xaa: {  	s25 =	simm.s32 $0x1B8E;
	s24 =	sld [smem:$0x3FFE];
	[sflag:s23] =	ssyncadd.s32 $0xFFFFFFFF  }
0xab: {  	s26 =	simm.s32 $execute0_lowered;
	[smem:$0x3FD2] =	sst s25  }
0xac: {  	s8 =	sshll.u32 s26, $0x1;
	_ =	strace $0x80000046;
	[dreg:$0x1] =	wrdreg $0xFFFFFFFF  }
0xad: {  	s28 =	simm.s32 $_size_execute0_lowered;
	s6 =	sadd.s32 s6, s8;
	[dreg:$0x0] =	wrdreg $0x0  }
0xae: {  	s8 =	sshll.u32 s28, $0x1;
	[dreg:$0x2] =	wrdreg s6  }
0xaf: {  	[dreg:$0x3] =	wrdreg s8  }
0xb0: {  	[dreg:$0x4] =	wrdreg $0xC0  }
0xb1: {  	_ =	task [dreg:s10], $0x5FFFF  }
0xb2: {  	[dreg:$0x1] =	wrdreg $0xFFFFFFFF  }
0xb3: {  	[dreg:$0x0] =	wrdreg $0x60  }
0xb4: {  	[dreg:$0x2] =	wrdreg s24  }
0xb5: {  	[dreg:$0x3] =	wrdreg s18  }
0xb6: {  	[dreg:$0x4] =	wrdreg s15  }
0xb7: {  	[dreg:$0x5] =	wrdreg s16  }
0xb8: {  	[dreg:$0x6] =	wrdreg s17  }
0xb9: {  	[dreg:$0x7] =	wrdreg $0x9  }
0xba: {  	_ =	task.clear_ibuf [dreg:s10], $0x8FFFF;
	_ =	strace $0x90000046  }
0xbb: {  	s29 =	simm.s32 $0x9;
	_ =	strace $0x80000048  }
0xbc: {  	_ =	swait.ge [sflag:s29], $0x1  }
0xbd: {  	[sflag:s29] =	ssyncadd.s32 $0xFFFFFFFF  }
0xbe: {  	_ =	strace $0x90000048  }
0xbf: {  	_ =	sfence  }
0xc0: {  	s30 =	sld [smem:$0x0];
	_ =	sdelay $0x2  }
0xc1: {  	s31 =	sshll.u32 s1, $0xD;
	s1 =	sshrl.u32 s1, $0x2  }
0xc2: {  	s3 =	sand.u32 $0x4000, s31;
	s1 =	sadd.s32 s1, s30  }
0xc3: {  	s0 =	sor.u32 s3, s0;
	s1 =	sshll.u32 s1, $0x11  }
0xc4: {  	s0 =	sor.u32 s1, s0  }
0xc5: {  	s0 =	sadd.s32 $0x8F2B, s0  }
0xc6: {  	[sflag:s0] =	ssyncadd.remote.s32 $0x1  }
0xc7: {  	_ =	sfence.sel $0xFFFF  }
0xc8: {  	[dreg:$0x0] =	wrdreg $0xFFFFFFFF;
	(pc) =	sbr.abs _section_cstart, $3  }
0xc9: {  	[dreg:$0x1] =	wrdreg $0xFFFFFFFF  }
0xca: {  	_ =	task.clear_ibuf [dreg:s10], $0x2FFFF;
	_ =	strace $0x9FFFFFFF  }
0xcb: {  	(tm) =	ssettm $0x7FFFFFFF  }
tec
execute0_lowered:
.L_overlay_start_1:
0x0: {  	(tag) =	ssettag $0x1  }
0x1: {  	s0 =	rddreg [dreg:$0x0]  }
0x2: {  	s1 =	rddreg [dreg:$0x1]  }
0x3: {  	s2 =	rddreg [dreg:$0x2];
	vm0 =	vcmask $0xB08;
	vm1 =	vcmask $0x300  }
0x4: {  	s10 =	rddreg [dreg:$0x3];
	vm0 =	vmor vm1, vm0;
	vm1 =	vcmask $0x1310  }
0x5: {  	s11 =	rddreg [dreg:$0x4];
	vm0 =	vmor vm0, vm1;
	vm1 =	vcmask $0x1B18  }
0x6: {  	s3 =	rddreg [dreg:$0x5];
	s4 =	simm.s32 $0x0;
	s6 =	srdreg.scid;
	vm0 =	vmor vm0, vm1;
	vm1 =	vcmask $0x2320  }
0x7: {  	s5 =	stileid.u32;
	s15 =	simm.s32 $0x2000;
	s16 =	simm.s32 $0x3000;
	vm0 =	vmor vm0, vm1;
	vm1 =	vcmask $0x2B28  }
0x8: {  	vm2 =	vcmask $0xF0C;
	s17 =	simm.s32 $0x4000;
	s18 =	simm.s32 $0x4080;
	s19 =	simm.s32 $0x7080;
	vm0 =	vmor vm0, vm1;
	vm1 =	vcmask $0x3330  }
0x9: {  	vm3 =	vcmask $0x704;
	s20 =	simm.s32 $0x6080;
	s21 =	simm.s32 $0x0;
	[smem:$0x7FF] =	sst s4;
	vm0 =	vmor vm0, vm1;
	vm1 =	vcmask $0x3B38  }
0xa: {  	s7 =	sand.u32 $0x1, s6;
	s8 =	sshll.u32 s5, $0x1;
	s6 =	sadd.s32 $0x400, s0;
	vm0 =	vmor vm0, vm1;
	vm1 =	vmor vm3, vm2;
	vm2 =	vcmask $0x1714  }
0xb: {  	v0 =	vimm.f32 $-1.000000000e+00;
	_ =	strace $0x80000047;
	s12 =	sor.u32 s7, s8;
	s31 =	ssub.s32 $0x2, s7;
	vm1 =	vmor vm1, vm2;
	vm2 =	vcmask $0x1F1C  }
.Ltmp0:
0xc: {  	v1 =	vimm.f32 $-3.000000000e+00;
	s7 =	sadd.s32 $0x200, s0;
	s9 =	sshll.u32 s12, $0x10;
	vm1 =	vmor vm1, vm2;
	vm2 =	vcmask $0x2724;
	(pc) =	sbr.rel .LBB2_1-.Ltmp0, $4  }
0xd: {  	v2 =	vlaneseq.u32;
	s13 =	sshrl.u32 s31, $0x1;
	s8 =	sshll.u32 s12, $0x7;
	s14 =	sshll.u32 s12, $0x9;
	vm1 =	vmor vm1, vm2;
	vm2 =	vcmask $0x2F2C  }
0xe: {  	v4 =	vmul.u32 $0xFFFFFFFF, v2;
	s12 =	sshll.u32 s12, $0xA;
	s9 =	sadd.s32 s9, s0;
	s13 =	ssub.s32 s31, s13;
	vm1 =	vmor vm1, vm2;
	vm2 =	vcmask $0x3734  }
0xf: {  	v3 =	vimm.s32 $0x0;
	s10 =	sadd.s32 s10, s12;
	s11 =	sadd.s32 s11, s14;
	s14 =	simm.s32 $0x1000;
	vm1 =	vmor vm1, vm2;
	vm2 =	vcmask $0x3F3C  }
0x10: {  	v5 =	vmul.u32 $0x80, v2;
	v4 =	vadd.s32 $0xF, v4;
	s9 =	sadd.s32 $0x600, s9;
	s12 =	smax.u32 s13, $0x1;
	s13 =	simm.s32 $0x1;
	vm1 =	vmor vm1, vm2  }
.LBB2_17:
0x11: {  	[hbm4b:s10+s4] =	stream.linear.scatter [tilespmem:s18], [sflag:$0x1], $0x2000, $0x38;
	[tilespmem:$0x17180] =	vst v63  }
0x12: {  	s21 =	sadd.s32 $0x1, s21;
	_ =	swait.ge [sflag:s13], $0x2000  }
0x13: {  	p0 =	sne.s32 s21, s12;
	[sflag:s13] =	ssyncset.done $0x0  }
.Ltmp1:
0x14: {  	[sflag:s13] =	ssyncadd.s32 $0xFFFFE000;
	(pc) =	sbr.rel @!p0 .LBB2_18-.Ltmp1, $4  }
0x15: {  	[hbm4b:s11+s4] =	stream.linear.scatter [tilespmem:s20], [sflag:$0x1], $0x1000, $0x38;
	[tilespmem:$0x17180] =	vst v63  }
0x16: {  	_ =	swait.ge [sflag:s13], $0x1000  }
0x17: {  	[sflag:s13] =	ssyncset.done $0x0  }
0x18: {  	[sflag:s13] =	ssyncadd.s32 $0xFFFFF000  }
.LBB2_1:
0x19: {  	[tilespmem:s4], [sflag:$0x1] =	stream.linear.gather [hbm4b:s6+s4], $0x1000, $0x38;
	[tilespmem:$0x17180] =	vst v63  }
0x1a: {  	_ =	swait.ge [sflag:s13], $0x1000  }
0x1b: {  	[sflag:s13] =	ssyncset.done $0x0  }
0x1c: {  	[sflag:s13] =	ssyncadd.s32 $0xFFFFF000  }
0x1d: {  	[tilespmem:s14], [sflag:$0x1] =	stream.linear.gather [hbm4b:s7+s4], $0x1000, $0x38;
	[tilespmem:$0x17180] =	vst v63  }
0x1e: {  	_ =	swait.ge [sflag:s13], $0x1000  }
0x1f: {  	[sflag:s13] =	ssyncset.done $0x0  }
0x20: {  	[sflag:s13] =	ssyncadd.s32 $0xFFFFF000  }
0x21: {  	[tilespmem:s15], [sflag:$0x1] =	stream.linear.gather [hbm4b:s1+s4], $0x1000, $0x38;
	[tilespmem:$0x17180] =	vst v63  }
0x22: {  	_ =	swait.ge [sflag:s13], $0x1000  }
0x23: {  	[sflag:s13] =	ssyncset.done $0x0  }
0x24: {  	[sflag:s13] =	ssyncadd.s32 $0xFFFFF000  }
0x25: {  	[tilespmem:s16], [sflag:$0x1] =	stream.linear.gather [hbm4b:s2+s4], $0x1000, $0x38;
	[tilespmem:$0x17180] =	vst v63  }
0x26: {  	_ =	swait.ge [sflag:s13], $0x1000  }
0x27: {  	[sflag:s13] =	ssyncset.done $0x0  }
0x28: {  	[sflag:s13] =	ssyncadd.s32 $0xFFFFF000  }
0x29: {  	[tilespmem:s17], [sflag:$0x1] =	stream.linear.gather [hbm4b:s0+s4], $0x80, $0x38;
	[tilespmem:$0x17180] =	vst v63  }
0x2a: {  	_ =	swait.ge [sflag:s13], $0x80  }
0x2b: {  	[sflag:s13] =	ssyncset.done $0x0  }
.Ltmp2:
0x2c: {  	[sflag:s13] =	ssyncadd.s32 $0xFFFFFF80;
	(pc) =	sbr.rel .LBB2_2-.Ltmp2, $4  }
0x2d: {  	[tilespmem:$0x17080] =	vst v0  }
0x2e: {  	[tilespmem:$0x170B0] =	vst v1  }
0x2f: {  	[tilespmem:$0x17100] =	vst v3  }
0x30: {  	s22 =	simm.s32 $0x0;
	[tilespmem:$0x17130] =	vst v3  }
.LBB2_4:
0x31: {  	v37 =	vimm.f32 $9.999999840e+17;
	v34 =	vmovc v6;
	v47 =	vimm.f32 $9.999999840e+17;
	v49 =	vmov v10  }
.LBB2_15:
0x32: {  	v17 =	vmax.f32 v46, $0.0e+00;
	v18 =	vsel @p0 vm3, v37, v39  }
0x33: {  	vm4 =	veq.s32 v43, v14;
	v19 =	vmax.f32 v41, $0.0e+00;
	vm5 =	vle.f32 v17, $2.500000000e+01  }
0x34: {  	v14 =	vsel @p0 vm3, v34, v33;
	(xrf1) =	vsort.ascd.msk.f32 @p1 $0xffff, v42, v45;
	vm15 =	vle.f32 v19, $2.500000000e+01;
	vm4 =	vmand vm4, vm5  }
0x35: {  	(xrf1) =	vsort.ascd.msk.f32 @p0 $0xffff, v18, v14;
	v14 =	vor.u32 s23, v2;
	vm2 =	vmand vm2, vm15;
	v17 =	vnsel vm4, $0x72177617, v17;
	v20, v21, _ =	vpop @p3 (xrf1)  }
0x36: {  	v18 =	vperm.xlane @p2 v44, v4;
	(xrf1) =	vsort.ascd.msk.f32 $0xffff, v17, v14;
	v17 =	vnsel vm2, $0x72177617, v19;
	vm2 =	vle.f32 @p2 v47, v48;
	v19, v22, _ =	vpop @p2 (xrf1)  }
0x37: {  	v20 =	vpsel p3, v20, v15;
	(xrf1) =	vsort.ascd.msk.f32 $0xffff, v17, v14;
	v17 =	vperm.xlane @p2 v19, v4  }
0x38: {  	v14 =	vsel @p2 vm2, v49, v18;
	v18 =	vsel @p2 vm2, v47, v48;
	v19 =	vperm.xlane @p2 v22, v4  }
0x39: {  	(xrf1) =	vsort.ascd.msk.f32 @p2 $0xffff, v18, v14;
	v14 =	vpsel p3, v21, v6;
	vm2 =	vle.f32 @p2 v20, v17  }
0x3a: {  	v17 =	vsel @p2 vm2, v20, v17;
	v14 =	vsel @p2 vm2, v14, v19  }
0x3b: {  	(xrf1) =	vsort.ascd.msk.f32 @p2 $0xffff, v17, v14  }
0x3c: {  	(xrf1) =	vsort.ascd.msk.f32 @p1 $0xffff, v16, v35;
	_ =	sdelay $0x2  }
0x3d: {  	v17 =	vperm.xlane @p0 v36, v4;
	v14, v16, _ =	vpop @p1 (xrf1)  }
0x3e: {  	v20 =	vperm.xlane @p0 v38, v4;
	v14 =	vpsel p1, v14, v15  }
0x3f: {  	v16 =	vpsel p1, v16, v10;
	vm2 =	vle.f32 @p0 v14, v17  }
0x40: {  	v23 =	vsel @p0 vm2, v16, v20  }
0x41: {  	v18, v19, _ =	vpop @p1 (xrf1);
	v35 =	vsel @p0 vm2, v14, v17  }
0x42: {  	v14 =	vsel @p0 vm2, v17, v14;
	v17 =	vmov @p0 v33;
	v16 =	vsel @p0 vm2, v20, v16;
	v21, v22, _ =	vpop @p0 (xrf1)  }
0x43: {  	(xrf1) =	vsort.ascd.msk.f32 @p0 $0xffff, v35, v23;
	v17 =	vsel @p0 vm3, v17, v32;
	v18 =	vperm.xlane @p1 v18, v4;
	v25, v55, _ =	vpop (xrf1)  }
0x44: {  	v14 =	vpsel p0, v14, v28;
	v19 =	vpsel p1, v19, v27;
	v20 =	vpsel p0, v21, v15;
	v21, v23, _ =	vpop (xrf1)  }
0x45: {  	v16 =	vpsel p0, v16, v30;
	v22 =	vpsel p0, v22, v6;
	v25 =	vperm.xlane v25, v4;
	v32, v34, _ =	vpop @p2 (xrf1)  }
0x46: {  	v18 =	vpsel p1, v18, v31;
	v56 =	vperm.xlane v55, v4;
	(xrf1) =	vsort.ascd.msk.f32 @p0 $0xffff, v14, v16  }
0x47: {  	v14 =	vperm.xlane @p1 v19, v4;
	vm2 =	vle.f32 v20, v25;
	v27 =	vpsel p2, v32, v15;
	v31, v32, _ =	vpop @p2 (xrf1)  }
0x48: {  	v28 =	vpsel p2, v34, v10;
	v57 =	vsel vm2, v20, v25;
	v58 =	vsel vm2, v22, v56;
	v16, v19, _ =	vpop @p1 (xrf1)  }
0x49: {  	vm3 =	vle.f32 @p1 v27, v18;
	(xrf1) =	vsort.ascd.msk.f32 $0xffff, v57, v58;
	v16 =	vperm.xlane @p1 v16, v4  }
0x4a: {  	v14 =	vsel @p1 vm3, v28, v14;
	v28 =	vpsel p2, v31, v15;
	v19 =	vperm.xlane @p1 v19, v4  }
0x4b: {  	v18 =	vsel @p1 vm3, v27, v18;
	v27 =	vpsel p2, v32, v6;
	vm3 =	vle.f32 @p1 v28, v16  }
0x4c: {  	(xrf1) =	vsort.ascd.msk.f32 @p1 $0xffff, v18, v14;
	v14 =	vsel @p1 vm3, v28, v16;
	v16 =	vsel @p1 vm3, v27, v19  }
0x4d: {  	v17 =	vpsel p0, v17, v29;
	v18 =	vpsel p0, v24, v26;
	(xrf1) =	vsort.ascd.msk.f32 @p1 $0xffff, v14, v16  }
0x4e: {  	(xrf1) =	vsort.ascd.msk.f32 @p0 $0xffff, v18, v17;
	_ =	sdelay $0x7  }
0x4f: {  	v14 =	vperm.xlane v21, v4;
	v16, v17, _ =	vpop @p0 (xrf1)  }
0x50: {  	v19 =	vperm.xlane v23, v4;
	v16 =	vpsel p0, v16, v15  }
0x51: {  	v59 =	vpsel p0, v17, v10;
	v21, v23, _ =	vpop @p0 (xrf1);
	vm3 =	vle.f32 v16, v14  }
0x52: {  	v60 =	vsel vm3, v59, v19;
	v61 =	vsel vm3, v16, v14;
	v14 =	vsel vm3, v14, v16;
	v17, v18, _ =	vpop (xrf1)  }
0x53: {  	v16 =	vsel vm3, v19, v59;
	v19 =	vperm.xlane @p0 v21, v4;
	v23 =	vpsel p0, v23, v0;
	v21, v24, _ =	vpop @p1 (xrf1)  }
0x54: {  	(xrf1) =	vsort.ascd.msk.f32 $0xffff, v61, v60;
	v23 =	vperm.xlane @p0 v23, v4;
	v26, v27, _ =	vpop @p1 (xrf1)  }
0x55: {  	v19 =	vpsel p0, v19, v0;
	(xrf1) =	vsort.ascd.msk.f32 $0xffff, v14, v16;
	v21 =	vpsel p1, v21, v15;
	v28, v29, _ =	vpop @p0 (xrf1)  }
0x56: {  	v24 =	vpsel p1, v24, v10;
	vm3 =	vle.f32 @p0 v21, v19;
	v14 =	vperm.xlane @p0 v28, v4  }
0x57: {  	v16 =	vsel @p0 vm3, v24, v23;
	v24 =	vpsel p1, v26, v15;
	v23 =	vperm.xlane @p0 v29, v4  }
0x58: {  	v19 =	vsel @p0 vm3, v21, v19;
	v21 =	vpsel p1, v27, v6;
	vm3 =	vle.f32 @p0 v24, v14  }
0x59: {  	(xrf1) =	vsort.ascd.msk.f32 @p0 $0xffff, v19, v16;
	v14 =	vsel @p0 vm3, v24, v14;
	v16 =	vsel @p0 vm3, v21, v23  }
0x5a: {  	v19 =	vsel vm2, v25, v20;
	v20 =	vsel vm2, v56, v22;
	(xrf1) =	vsort.ascd.msk.f32 @p0 $0xffff, v14, v16  }
0x5b: {  	(xrf1) =	vsort.ascd.msk.f32 $0xffff, v19, v20;
	_ =	sdelay $0x9  }
0x5c: {  	v21, v22, _ =	vpop (xrf1)  }
0x5d: {  	v14, v16, _ =	vpop (xrf1)  }
0x5e: {  	v19, v20, _ =	vpop @p0 (xrf1)  }
0x5f: {  	v14 =	vperm.xlane v14, v4;
	v23, v24, _ =	vpop @p0 (xrf1)  }
0x60: {  	v16 =	vperm.xlane v16, v4;
	v19 =	vpsel p0, v19, v15;
	v63, v62, _ =	vpop (xrf1)  }
0x61: {  	v20 =	vpsel p0, v20, v10;
	vm2 =	vle.f32 v19, v14;
	v25 =	vperm.xlane v63, v4  }
0x62: {  	v16 =	vsel vm2, v20, v16;
	v15 =	vpsel p0, v23, v15;
	v20 =	vperm.xlane v62, v4  }
0x63: {  	v14 =	vsel vm2, v19, v14;
	v19 =	vpsel p0, v24, v6;
	vm2 =	vle.f32 v15, v25  }
0x64: {  	(xrf1) =	vsort.ascd.msk.f32 $0xffff, v14, v16;
	v14 =	vsel vm2, v15, v25;
	v15 =	vsel vm2, v19, v20  }
0x65: {  	(xrf1) =	vsort.ascd.msk.f32 $0xffff, v14, v15;
	_ =	sdelay $0xc  }
0x66: {  	v20, v23, _ =	vpop (xrf1)  }
0x67: {  	v15, v19, _ =	vpop (xrf1)  }
.LBB2_16:
0x68: {  	[tilespmem:$0x17090] =	vst v21  }
0x69: {  	[tilespmem:$0x170A0] =	vst v20  }
0x6a: {  	[tilespmem:$0x17110] =	vst v22;
	v14 =	vld [tilespmem:$0x17091]  }
0x6b: {  	[tilespmem:$0x17120] =	vst v23;
	v16 =	vld [tilespmem:$0x1708F]  }
0x6c: {  	v25 =	vld [tilespmem:$0x17111]  }
0x6d: {  	v26 =	vld [tilespmem:$0x1710F]  }
0x6e: {  	v27 =	vld [tilespmem:$0x1709F]  }
0x6f: {  	v28 =	vld [tilespmem:$0x17121]  }
0x70: {  	v29 =	vld [tilespmem:$0x1711F];
	_ =	sdelay $0x1  }
0x71: {  	v24 =	vld [tilespmem:$0x170A1]  }
0x72: {  	vm2 =	veq.f32 v21, v14  }
0x73: {  	vm3 =	vgt.s32 v22, v25;
	vm4 =	veq.f32 v16, v21;
	vm5 =	vgt.s32 v26, v22  }
0x74: {  	vm13 =	vgt.s32 v23, v28;
	vm14 =	veq.f32 v27, v20;
	vm15 =	vgt.s32 v29, v23  }
0x75: {  	vm2 =	vmand vm2, vm3;
	vm3 =	vmand vm4, vm1;
	v30 =	vsel vm5, v26, v22  }
0x76: {  	vm4 =	vmand vm14, vm1;
	v14 =	vsel vm3, v30, v22;
	vm3 =	veq.f32 v20, v24  }
0x77: {  	v31 =	vsel vm15, v29, v23;
	vm2 =	vmand vm2, vm0;
	vm3 =	vmand vm3, vm13  }
0x78: {  	v32 =	vld [tilespmem:$0x17091];
	v16 =	vsel vm4, v31, v23;
	v14 =	vsel vm2, v25, v14;
	vm2 =	vmand vm3, vm0  }
0x79: {  	v33 =	vld [tilespmem:$0x1708F];
	[tilespmem:$0x17110] =	vst v14;
	v16 =	vsel vm2, v28, v16  }
0x7a: {  	v35 =	vld [tilespmem:$0x1710F];
	[tilespmem:$0x17120] =	vst v16  }
0x7b: {  	v34 =	vld [tilespmem:$0x17111];
	_ =	sdelay $0x3  }
0x7c: {  	vm8 =	veq.f32 v33, v21  }
0x7d: {  	vm2 =	veq.f32 v21, v32;
	vm9 =	vgt.s32 v35, v14;
	vm3 =	vgt.s32 v14, v34  }
0x7e: {  	v36 =	vsel vm9, v35, v14;
	vm2 =	vmand vm2, vm3;
	vm3 =	vmand vm8, vm0  }
0x7f: {  	vm2 =	vmand vm2, vm1;
	v14 =	vsel vm3, v36, v14  }
0x80: {  	v14 =	vsel vm2, v34, v14;
	_ =	sdelay $0x4  }
0x81: {  	v37 =	vld.idx.msk [tilespmem:v14+s4+$0x0], $0xffff  }
0x82: {  	v38 =	vld.idx.msk [tilespmem:v14+s14+$0x0], $0xffff;
	_ =	sdelay $0x1  }
0x83: {  	v39 =	vld.idx.msk [tilespmem:v14+s15+$0x0], $0xffff;
	_ =	sdelay $0x2  }
0x84: {  	v21 =	vsub.f32 v37, v11;
	v22 =	vsub.f32 v38, v12;
	_ =	sdelay $0x1  }
0x85: {  	v23 =	vsub.f32 v39, v13;
	v40 =	vmul.f32 v21, v21;
	v41 =	vmul.f32 v22, v22;
	_ =	sdelay $0x1  }
0x86: {  	v42 =	vmul.f32 v23, v23;
	v24 =	vadd.f32 v41, v40;
	_ =	sdelay $0x1  }
0x87: {  	v24 =	vadd.f32 v42, v24  }
0x88: {  	vm2 =	veq.s32 v14, v10  }
0x89: {  	v25 =	vsel vm2, $0x3F800000, v24  }
0x8a: {  	v43 =	vshra.s32 v25, $0x1;
	v25 =	vmul.f32 $5.000000000e-01, v25  }
0x8b: {  	v26 =	vsub.s32 $0x5F3759DF, v43  }
0x8c: {  	v44 =	vmul.f32 v26, v25;
	_ =	sdelay $0x1  }
0x8d: {  	v27 =	vmul.f32 v26, v44;
	_ =	sdelay $0x1  }
0x8e: {  	v27 =	vsub.f32 $1.500000000e+00, v27;
	_ =	sdelay $0x1  }
0x8f: {  	v26 =	vmul.f32 v26, v27;
	_ =	sdelay $0x1  }
0x90: {  	v27 =	vmul.f32 v26, v25;
	_ =	sdelay $0x1  }
0x91: {  	v27 =	vmul.f32 v27, v26;
	_ =	sdelay $0x1  }
0x92: {  	v27 =	vsub.f32 $1.500000000e+00, v27;
	_ =	sdelay $0x1  }
0x93: {  	v26 =	vmul.f32 v27, v26;
	_ =	sdelay $0x1  }
0x94: {  	v27 =	vmul.f32 v26, v25;
	_ =	sdelay $0x1  }
0x95: {  	v27 =	vmul.f32 v27, v26;
	_ =	sdelay $0x1  }
0x96: {  	v27 =	vsub.f32 $1.500000000e+00, v27;
	_ =	sdelay $0x1  }
0x97: {  	v26 =	vmul.f32 v27, v26  }
0x98: {  	s23 =	sshll.u32 s22, $0x6;
	v45 =	vld [tilespmem:$0x170A1]  }
0x99: {  	v30 =	vmov s23;
	v31 =	vld [tilespmem:$0x1709F];
	v25 =	vmul.f32 v26, v25  }
0x9a: {  	v48 =	vor.u32 s23, v2;
	v30 =	vshll.u32 v30, $0x1;
	v46 =	vld [tilespmem:$0x17121]  }
0x9b: {  	s24 =	sand.u32 $0x1C0, s23;
	v28 =	vand.u32 $0x4F, v48;
	v32 =	vand.u32 $0x1F00, v30;
	v47 =	vld [tilespmem:$0x1711F];
	v25 =	vmul.f32 v25, v26  }
0x9c: {  	v50 =	vmov s24;
	v32 =	vor.u32 v28, v32;
	v28 =	vor.u32 v28, v30  }
0x9d: {  	v49 =	vor.u32 $0x80, v28;
	v28 =	vshll.u32 v50, $0x7;
	v25 =	vsub.f32 $1.500000000e+00, v25  }
0x9e: {  	vm12 =	veq.f32 v31, v20;
	v28 =	vor.u32 v5, v28  }
0x9f: {  	vm13 =	vmand vm12, vm0;
	v52 =	vor.u32 $0x1, v28;
	v25 =	vmul.f32 v25, v26  }
0xa0: {  	vm10 =	vgt.s32 v16, v46;
	vm11 =	vgt.s32 v47, v16;
	vm3 =	veq.f32 v20, v45  }
0xa1: {  	v51 =	vsel vm11, v47, v16;
	vm3 =	vmand vm3, vm10;
	v24 =	vmul.f32 v25, v24  }
0xa2: {  	v53 =	vor.u32 $0x2, v28;
	v16 =	vsel vm13, v51, v16;
	vm3 =	vmand vm3, vm1;
	[tilespmem:v32+s18+$0x0] =	vst.idx.msk $0xffff, v14  }
0xa3: {  	v16 =	vsel vm3, v46, v16;
	[tilespmem:v49+s18+$0x0] =	vst.idx.msk $0xffff, v10;
	v54 =	vsel vm2, $0x0, v24  }
0xa4: {  	[tilespmem:s23+$0x6080] =	vst v54  }
0xa5: {  	[tilespmem:v28+s19+$0x0] =	vst.idx.msk $0xffff, v21  }
0xa6: {  	[tilespmem:v52+s19+$0x0] =	vst.idx.msk $0xffff, v22  }
0xa7: {  	[tilespmem:v53+s19+$0x0] =	vst.idx.msk $0xffff, v23  }
0xa8: {  	v14 =	vld.idx.msk [tilespmem:v16+s4+$0x0], $0xffff  }
0xa9: {  	v20 =	vld.idx.msk [tilespmem:v16+s14+$0x0], $0xffff;
	_ =	sdelay $0x1  }
0xaa: {  	v21 =	vld.idx.msk [tilespmem:v16+s15+$0x0], $0xffff;
	_ =	sdelay $0x2  }
0xab: {  	v55 =	vsub.f32 v14, v11;
	v56 =	vsub.f32 v20, v12;
	_ =	sdelay $0x1  }
0xac: {  	v57 =	vsub.f32 v21, v13;
	v14 =	vmul.f32 v55, v55;
	v20 =	vmul.f32 v56, v56;
	_ =	sdelay $0x1  }
0xad: {  	v58 =	vmul.f32 v57, v57;
	v14 =	vadd.f32 v20, v14;
	_ =	sdelay $0x1  }
0xae: {  	v14 =	vadd.f32 v58, v14  }
0xaf: {  	vm2 =	veq.s32 v16, v10  }
0xb0: {  	v20 =	vsel vm2, $0x3F800000, v14  }
0xb1: {  	v59 =	vshra.s32 v20, $0x1;
	v20 =	vmul.f32 $5.000000000e-01, v20  }
0xb2: {  	v21 =	vsub.s32 $0x5F3759DF, v59  }
0xb3: {  	v60 =	vmul.f32 v21, v20;
	_ =	sdelay $0x1  }
0xb4: {  	v22 =	vmul.f32 v21, v60;
	_ =	sdelay $0x1  }
0xb5: {  	v22 =	vsub.f32 $1.500000000e+00, v22;
	_ =	sdelay $0x1  }
0xb6: {  	v21 =	vmul.f32 v21, v22;
	_ =	sdelay $0x1  }
0xb7: {  	v22 =	vmul.f32 v21, v20;
	_ =	sdelay $0x1  }
0xb8: {  	v22 =	vmul.f32 v22, v21;
	_ =	sdelay $0x1  }
0xb9: {  	v22 =	vsub.f32 $1.500000000e+00, v22;
	_ =	sdelay $0x1  }
0xba: {  	v21 =	vmul.f32 v22, v21;
	_ =	sdelay $0x1  }
0xbb: {  	v22 =	vmul.f32 v21, v20;
	_ =	sdelay $0x1  }
0xbc: {  	v22 =	vmul.f32 v22, v21;
	_ =	sdelay $0x1  }
0xbd: {  	v22 =	vsub.f32 $1.500000000e+00, v22;
	_ =	sdelay $0x1  }
0xbe: {  	v21 =	vmul.f32 v22, v21;
	_ =	sdelay $0x1  }
0xbf: {  	s28 =	sor.u32 $0x10, s23;
	v20 =	vmul.f32 v21, v20  }
0xc0: {  	v61 =	vmov s28  }
0xc1: {  	v62 =	vor.u32 s28, v2;
	v22 =	vshll.u32 v61, $0x1;
	v20 =	vmul.f32 v20, v21  }
0xc2: {  	v23 =	vand.u32 $0x5F, v62;
	v22 =	vand.u32 $0x1F00, v22  }
0xc3: {  	s24 =	sand.u32 $0x1D0, s28;
	v22 =	vor.u32 v23, v22;
	v20 =	vsub.f32 $1.500000000e+00, v20  }
0xc4: {  	v63 =	vmov s24;
	v23 =	vor.u32 $0x80, v22  }
0xc5: {  	v25 =	vshll.u32 v63, $0x7;
	v20 =	vmul.f32 v20, v21  }
0xc6: {  	v21 =	vor.u32 v5, v25  }
0xc7: {  	v26 =	vor.u32 $0x1, v21;
	v14 =	vmul.f32 v20, v14  }
0xc8: {  	[tilespmem:v22+s18+$0x0] =	vst.idx.msk $0xffff, v16;
	v27 =	vor.u32 $0x2, v21  }
0xc9: {  	[tilespmem:v23+s18+$0x0] =	vst.idx.msk $0xffff, v10;
	v14 =	vsel vm2, $0x0, v14  }
0xca: {  	[tilespmem:s23+$0x6090] =	vst v14  }
0xcb: {  	[tilespmem:v21+s19+$0x0] =	vst.idx.msk $0xffff, v55  }
0xcc: {  	[tilespmem:v26+s19+$0x0] =	vst.idx.msk $0xffff, v56  }
0xcd: {  	[tilespmem:v27+s19+$0x0] =	vst.idx.msk $0xffff, v57  }
0xce: {  	[tilespmem:$0x17090] =	vst v17  }
0xcf: {  	[tilespmem:$0x170A0] =	vst v15  }
0xd0: {  	[tilespmem:$0x17110] =	vst v18;
	v10 =	vld [tilespmem:$0x17091]  }
0xd1: {  	[tilespmem:$0x17120] =	vst v19;
	v11 =	vld [tilespmem:$0x1708F]  }
0xd2: {  	v13 =	vld [tilespmem:$0x17111]  }
0xd3: {  	v14 =	vld [tilespmem:$0x1710F]  }
0xd4: {  	v16 =	vld [tilespmem:$0x1709F]  }
0xd5: {  	v20 =	vld [tilespmem:$0x17121]  }
0xd6: {  	v21 =	vld [tilespmem:$0x1711F];
	_ =	sdelay $0x1  }
0xd7: {  	v12 =	vld [tilespmem:$0x170A1]  }
0xd8: {  	vm2 =	veq.f32 v17, v10  }
0xd9: {  	vm3 =	vgt.s32 v18, v13;
	vm14 =	veq.f32 v11, v17;
	vm15 =	vgt.s32 v14, v18  }
0xda: {  	vm8 =	vgt.s32 v19, v20;
	vm9 =	veq.f32 v16, v15;
	vm10 =	vgt.s32 v21, v19  }
0xdb: {  	vm2 =	vmand vm2, vm3;
	vm3 =	vmand vm14, vm1;
	v28 =	vsel vm15, v14, v18  }
0xdc: {  	vm4 =	vmand vm9, vm1;
	v10 =	vsel vm3, v28, v18;
	vm3 =	veq.f32 v15, v12  }
0xdd: {  	v29 =	vsel vm10, v21, v19;
	vm2 =	vmand vm2, vm0;
	vm3 =	vmand vm3, vm8  }
0xde: {  	v30 =	vld [tilespmem:$0x17091];
	v11 =	vsel vm4, v29, v19;
	v10 =	vsel vm2, v13, v10;
	vm2 =	vmand vm3, vm0  }
0xdf: {  	v31 =	vld [tilespmem:$0x1708F];
	[tilespmem:$0x17110] =	vst v10;
	v11 =	vsel vm2, v20, v11  }
0xe0: {  	v33 =	vld [tilespmem:$0x1710F];
	[tilespmem:$0x17120] =	vst v11  }
0xe1: {  	v32 =	vld [tilespmem:$0x17111];
	_ =	sdelay $0x3  }
0xe2: {  	vm11 =	veq.f32 v31, v17  }
0xe3: {  	vm2 =	veq.f32 v17, v30;
	vm12 =	vgt.s32 v33, v10;
	vm3 =	vgt.s32 v10, v32  }
0xe4: {  	v34 =	vsel vm12, v33, v10;
	vm2 =	vmand vm2, vm3;
	vm3 =	vmand vm11, vm0  }
0xe5: {  	vm2 =	vmand vm2, vm1;
	v10 =	vsel vm3, v34, v10  }
0xe6: {  	v10 =	vsel vm2, v32, v10;
	_ =	sdelay $0x4  }
0xe7: {  	v35 =	vld.idx.msk [tilespmem:v10+s4+$0x0], $0xffff  }
0xe8: {  	v36 =	vld.idx.msk [tilespmem:v10+s14+$0x0], $0xffff;
	_ =	sdelay $0x1  }
0xe9: {  	v14 =	vld.idx.msk [tilespmem:v10+s15+$0x0], $0xffff;
	_ =	sdelay $0x2  }
0xea: {  	v12 =	vsub.f32 v35, v7;
	v13 =	vsub.f32 v36, v8;
	_ =	sdelay $0x1  }
0xeb: {  	v14 =	vsub.f32 v14, v9;
	v37 =	vmul.f32 v12, v12;
	v38 =	vmul.f32 v13, v13;
	_ =	sdelay $0x1  }
0xec: {  	v39 =	vmul.f32 v14, v14;
	v16 =	vadd.f32 v38, v37;
	_ =	sdelay $0x1  }
0xed: {  	v16 =	vadd.f32 v39, v16  }
0xee: {  	vm2 =	veq.s32 v10, v6  }
0xef: {  	v17 =	vsel vm2, $0x3F800000, v16  }
0xf0: {  	v40 =	vshra.s32 v17, $0x1;
	v17 =	vmul.f32 $5.000000000e-01, v17  }
0xf1: {  	v18 =	vsub.s32 $0x5F3759DF, v40  }
0xf2: {  	v41 =	vmul.f32 v18, v17;
	_ =	sdelay $0x1  }
0xf3: {  	v19 =	vmul.f32 v18, v41;
	_ =	sdelay $0x1  }
0xf4: {  	v19 =	vsub.f32 $1.500000000e+00, v19;
	_ =	sdelay $0x1  }
0xf5: {  	v18 =	vmul.f32 v18, v19;
	_ =	sdelay $0x1  }
0xf6: {  	v19 =	vmul.f32 v18, v17;
	_ =	sdelay $0x1  }
0xf7: {  	v19 =	vmul.f32 v19, v18;
	_ =	sdelay $0x1  }
0xf8: {  	v19 =	vsub.f32 $1.500000000e+00, v19;
	_ =	sdelay $0x1  }
0xf9: {  	v18 =	vmul.f32 v19, v18;
	_ =	sdelay $0x1  }
0xfa: {  	v19 =	vmul.f32 v18, v17;
	_ =	sdelay $0x1  }
0xfb: {  	v19 =	vmul.f32 v19, v18;
	_ =	sdelay $0x1  }
0xfc: {  	v19 =	vsub.f32 $1.500000000e+00, v19;
	_ =	sdelay $0x1  }
0xfd: {  	v18 =	vmul.f32 v19, v18  }
0xfe: {  	v42 =	vld [tilespmem:$0x170A1]  }
0xff: {  	s29 =	sor.u32 $0x20, s23;
	v23 =	vld [tilespmem:$0x1709F];
	v17 =	vmul.f32 v18, v17  }
0x100: {  	v45 =	vmov s29;
	v43 =	vld [tilespmem:$0x17121]  }
0x101: {  	s24 =	sand.u32 $0x1E0, s29;
	v46 =	vor.u32 s29, v2;
	v22 =	vshll.u32 v45, $0x1;
	v44 =	vld [tilespmem:$0x1711F];
	v17 =	vmul.f32 v17, v18  }
0x102: {  	v48 =	vmov s24;
	v47 =	vand.u32 $0x6F, v46;
	v22 =	vand.u32 $0x1F00, v22  }
0x103: {  	v49 =	vshll.u32 v48, $0x7;
	v20 =	vor.u32 v47, v22;
	v17 =	vsub.f32 $1.500000000e+00, v17  }
0x104: {  	v50 =	vor.u32 v5, v49;
	vm15 =	veq.f32 v23, v15;
	v22 =	vor.u32 $0x80, v20  }
0x105: {  	v51 =	vor.u32 $0x1, v50;
	vm4 =	vmand vm15, vm0;
	v17 =	vmul.f32 v17, v18  }
0x106: {  	vm13 =	vgt.s32 v11, v43;
	vm14 =	vgt.s32 v44, v11;
	vm3 =	veq.f32 v15, v42  }
0x107: {  	v21 =	vsel vm14, v44, v11;
	vm3 =	vmand vm3, vm13;
	v16 =	vmul.f32 v17, v16  }
0x108: {  	v52 =	vor.u32 $0x2, v50;
	v11 =	vsel vm4, v21, v11;
	vm3 =	vmand vm3, vm1;
	[tilespmem:v20+s18+$0x0] =	vst.idx.msk $0xffff, v10  }
0x109: {  	v11 =	vsel vm3, v43, v11;
	[tilespmem:v22+s18+$0x0] =	vst.idx.msk $0xffff, v6;
	v16 =	vsel vm2, $0x0, v16  }
0x10a: {  	[tilespmem:s23+$0x60A0] =	vst v16  }
0x10b: {  	[tilespmem:v50+s19+$0x0] =	vst.idx.msk $0xffff, v12  }
0x10c: {  	[tilespmem:v51+s19+$0x0] =	vst.idx.msk $0xffff, v13  }
0x10d: {  	[tilespmem:v52+s19+$0x0] =	vst.idx.msk $0xffff, v14  }
0x10e: {  	v10 =	vld.idx.msk [tilespmem:v11+s4+$0x0], $0xffff  }
0x10f: {  	v12 =	vld.idx.msk [tilespmem:v11+s14+$0x0], $0xffff;
	_ =	sdelay $0x1  }
0x110: {  	v13 =	vld.idx.msk [tilespmem:v11+s15+$0x0], $0xffff;
	_ =	sdelay $0x2  }
0x111: {  	v7 =	vsub.f32 v10, v7;
	v53 =	vsub.f32 v12, v8;
	_ =	sdelay $0x1  }
0x112: {  	v54 =	vsub.f32 v13, v9;
	v10 =	vmul.f32 v7, v7;
	v12 =	vmul.f32 v53, v53;
	_ =	sdelay $0x1  }
0x113: {  	v55 =	vmul.f32 v54, v54;
	v10 =	vadd.f32 v12, v10;
	_ =	sdelay $0x1  }
0x114: {  	v10 =	vadd.f32 v55, v10  }
0x115: {  	vm2 =	veq.s32 v11, v6  }
0x116: {  	v12 =	vsel vm2, $0x3F800000, v10  }
0x117: {  	v56 =	vshra.s32 v12, $0x1;
	v12 =	vmul.f32 $5.000000000e-01, v12  }
0x118: {  	v13 =	vsub.s32 $0x5F3759DF, v56  }
0x119: {  	v57 =	vmul.f32 v13, v12;
	_ =	sdelay $0x1  }
0x11a: {  	v14 =	vmul.f32 v13, v57;
	_ =	sdelay $0x1  }
0x11b: {  	v14 =	vsub.f32 $1.500000000e+00, v14;
	_ =	sdelay $0x1  }
0x11c: {  	v13 =	vmul.f32 v13, v14;
	_ =	sdelay $0x1  }
0x11d: {  	v14 =	vmul.f32 v13, v12;
	_ =	sdelay $0x1  }
0x11e: {  	v14 =	vmul.f32 v14, v13;
	_ =	sdelay $0x1  }
0x11f: {  	v14 =	vsub.f32 $1.500000000e+00, v14;
	_ =	sdelay $0x1  }
0x120: {  	v13 =	vmul.f32 v14, v13;
	_ =	sdelay $0x1  }
0x121: {  	v14 =	vmul.f32 v13, v12;
	_ =	sdelay $0x1  }
0x122: {  	v14 =	vmul.f32 v14, v13;
	_ =	sdelay $0x1  }
0x123: {  	v14 =	vsub.f32 $1.500000000e+00, v14;
	_ =	sdelay $0x1  }
0x124: {  	v13 =	vmul.f32 v14, v13;
	_ =	sdelay $0x1  }
0x125: {  	s30 =	sor.u32 $0x30, s23;
	v12 =	vmul.f32 v13, v12  }
0x126: {  	v58 =	vmov s30  }
0x127: {  	v59 =	vor.u32 s30, v2;
	v14 =	vshll.u32 v58, $0x1;
	v12 =	vmul.f32 v12, v13  }
0x128: {  	v15 =	vand.u32 $0x7F, v59;
	v14 =	vand.u32 $0x1F00, v14  }
0x129: {  	s24 =	sand.u32 $0x1F0, s30;
	v14 =	vor.u32 v15, v14;
	v12 =	vsub.f32 $1.500000000e+00, v12  }
0x12a: {  	v60 =	vmov s24;
	v15 =	vor.u32 $0x80, v14  }
0x12b: {  	v61 =	vshll.u32 v60, $0x7;
	v12 =	vmul.f32 v12, v13  }
0x12c: {  	v13 =	vor.u32 v5, v61  }
0x12d: {  	v62 =	vor.u32 $0x1, v13;
	v10 =	vmul.f32 v12, v10  }
0x12e: {  	[tilespmem:v14+s18+$0x0] =	vst.idx.msk $0xffff, v11;
	v63 =	vor.u32 $0x2, v13  }
0x12f: {  	s31 =	sand.u32 $0x7, s22;
	[tilespmem:v15+s18+$0x0] =	vst.idx.msk $0xffff, v6;
	v10 =	vsel vm2, $0x0, v10  }
0x130: {  	p0 =	sne.s32 s31, $0x7;
	[tilespmem:s23+$0x60B0] =	vst v10  }
0x131: {  	s23 =	sshll.u32 @!p0 s22, $0xA;
	[tilespmem:v13+s19+$0x0] =	vst.idx.msk $0xffff, v7  }
0x132: {  	s25 =	simm.s32 @!p0 $0x7080;
	s22 =	sadd.s32 $0x1, s22;
	s23 =	sand.u32 @!p0 $0xE000, s23;
	[tilespmem:v62+s19+$0x0] =	vst.idx.msk $0xffff, v53  }
0x133: {  	s24 =	simm.s32 @!p0 $0x0;
	p1 =	sne.s32 s22, $0x40;
	s23 =	sadd.s32 @!p0 s23, s9;
	[tilespmem:v63+s19+$0x0] =	vst.idx.msk $0xffff, v54  }
0x134: {  	[hbm4b:s23+s24] =	stream.linear.scatter @!p0 [tilespmem:s25], [sflag:$0x1], $0x10000, $0x38;
	[tilespmem:$0x17180] =	vst v63  }
.Ltmp3:
0x135: {  	_ = 	snop;
	(pc) =	sbr.rel @!p1 .LBB2_17-.Ltmp3, $4  }
0x136: {  	s23 =	simm.s32 @!p0 $0x1  }
0x137: {  	_ =	swait.ge @!p0 [sflag:s23], $0x10000  }
0x138: {  	[sflag:s23] =	ssyncset.done @!p0 $0x0  }
0x139: {  	[sflag:s23] =	ssyncadd.s32 @!p0 $0xFFFF0000  }
.LBB2_2:
0x13a: {  	s23 =	sshll.u32 s22, $0x1  }
0x13b: {  	s23 =	sadd.s32 s8, s23  }
0x13c: {  	v10 =	vmov s23  }
0x13d: {  	s23 =	sor.u32 $0x1, s23  }
0x13e: {  	v6 =	vmov s23;
	_ =	sdelay $0x2  }
0x13f: {  	v16 =	vld.idx.msk [tilespmem:v10+s16+$0x0], $0xffff;
	_ =	sdelay $0x1  }
0x140: {  	v14 =	vld.idx.msk [tilespmem:v6+s16+$0x0], $0xffff;
	_ =	sdelay $0x2  }
0x141: {  	v7 =	vadd.s32 $0x1, v16;
	_ =	sdelay $0x1  }
0x142: {  	v8 =	vadd.s32 $0x1, v14;
	_ =	sdelay $0x1  }
0x143: {  	v9 =	vld.idx.msk [tilespmem:v16+s17+$0x0], $0xffff  }
0x144: {  	v7 =	vld.idx.msk [tilespmem:v7+s17+$0x0], $0xffff  }
0x145: {  	v11 =	vld.idx.msk [tilespmem:v14+s17+$0x0], $0xffff  }
0x146: {  	v8 =	vld.idx.msk [tilespmem:v8+s17+$0x0], $0xffff;
	_ =	sdelay $0x1  }
0x147: {  	v9 =	vxor.u32 $0x80000000, v9  }
0x148: {  	(xrf0) =	vmax.scan.msk.u32 $0xffff, v9;
	v7 =	vxor.u32 $0x80000000, v7  }
0x149: {  	(xrf0) =	vmax.scan.msk.u32 $0xffff, v7;
	v7 =	vxor.u32 $0x80000000, v11  }
0x14a: {  	(xrf0) =	vmax.scan.msk.u32 $0xffff, v7;
	v7 =	vxor.u32 $0x80000000, v8  }
0x14b: {  	(xrf0) =	vmax.scan.msk.u32 $0xffff, v7;
	_ =	sdelay $0x2  }
0x14c: {  	v7, _, _ =	vpop (xrf0)  }
0x14d: {  	(v2sf) =	vpush v7, $0xF;
	v8, _, _ =	vpop (xrf0)  }
0x14e: {  	v7, _, _ =	vpop (xrf0);
	(v2sf) =	vpush v8, $0xF  }
0x14f: {  	(v2sf) =	vpush v7, $0xF;
	v7, _, _ =	vpop (xrf0)  }
0x150: {  	(v2sf) =	vpush v7, $0xF;
	_ =	sdelay $0xb  }
0x151: {  	s31 =	spop (v2sf)  }
0x152: {  	s24 =	spop (v2sf)  }
0x153: {  	s25 =	spop (v2sf)  }
0x154: {  	s26 =	spop (v2sf)  }
0x155: {  	s24 =	sxor.u32 $0x80000000, s24;
	s26 =	sxor.u32 $0x80000000, s26  }
0x156: {  	s23 =	sxor.u32 $0x80000000, s31;
	s25 =	sxor.u32 $0x80000000, s25;
	p0 =	sgt.s32 s24, s26  }
0x157: {  	s26 =	smov.u32 @p0 s24;
	p0 =	slt.s32 s23, s25  }
0x158: {  	s25 =	smov.u32 @p0 s23;
	s24 =	sadd.s32 $0xF, s26  }
0x159: {  	s23 =	sshra.s32 s25, $0x4;
	s24 =	sshra.s32 s24, $0x4  }
0x15a: {  	v12 =	vld.idx.msk [tilespmem:v10+s14+$0x0], $0xffff;
	p0 =	sle.s32 s24, s23  }
.Ltmp4:
0x15b: {  	v13 =	vld.idx.msk [tilespmem:v10+s15+$0x0], $0xffff;
	(pc) =	sbr.rel @p0 .LBB2_16-.Ltmp4, $4  }
0x15c: {  	v9 =	vld.idx.msk [tilespmem:v6+s15+$0x0], $0xffff  }
0x15d: {  	v11 =	vld.idx.msk [tilespmem:v10+s4+$0x0], $0xffff  }
0x15e: {  	v21 =	vimm.f32 $9.999999840e+17;
	v20 =	vimm.f32 $9.999999840e+17;
	v17 =	vimm.f32 $9.999999840e+17;
	v8 =	vld.idx.msk [tilespmem:v6+s14+$0x0], $0xffff  }
0x15f: {  	v15 =	vimm.f32 $9.999999840e+17;
	v22 =	vmovc v10;
	v23 =	vmovc v10;
	v18 =	vmov v6;
	v19 =	vmov v6;
	v7 =	vld.idx.msk [tilespmem:v6+s4+$0x0], $0xffff  }
0x160: {  	_ =	sdelay $0x1  }
0x161: {  	v17 =	vmul.f32 v12, v12;
	v15 =	vmul.f32 v11, v11  }
0x162: {  	v18 =	vshrl.u32 v12, $0x10;
	v19 =	vshrl.u32 v13, $0x10;
	s25 =	sshll.u32 s23, $0x6  }
0x163: {  	v18 =	vand.u32 $0x1, v18;
	s26 =	sshra.s32 s25, $0x2;
	v15 =	vadd.f32 v17, v15;
	v17 =	vmul.f32 v13, v13  }
0x164: {  	v19 =	vand.u32 $0x1, v19;
	v62 =	vmul.f32 v9, v9;
	v24 =	vld [tilespmem:s26+$0x0];
	v22 =	vmul.f32 v8, v8  }
0x165: {  	s28 =	sadd.s32 $0x1000, s26;
	v21 =	vmul.f32 v7, v7;
	v17 =	vadd.f32 v17, v15;
	v15 =	vshrl.u32 v11, $0x10  }
0x166: {  	v20 =	vadd.s32 v18, v12;
	v19 =	vadd.s32 v19, v13;
	s29 =	sadd.s32 $0x2000, s26;
	v26 =	vld [tilespmem:s28+$0x0];
	v15 =	vand.u32 $0x1, v15  }
0x167: {  	v27 =	vld [tilespmem:s29+$0x0];
	v25 =	vadd.f32 v22, v21;
	v21 =	vshrl.u32 v8, $0x10;
	v15 =	vadd.s32 v15, v11  }
0x168: {  	v23 =	vshrl.u32 v7, $0x10;
	v22 =	vand.u32 $0x1, v21;
	v15 =	vadd.s32 $0x7FFF, v15  }
0x169: {  	v28 =	vshrl.u32 v24, $0x10;
	v18 =	vand.u32 $0xFFFF0000, v15;
	v15 =	vadd.s32 $0x7FFF, v20  }
0x16a: {  	v20 =	vadd.s32 $0x7FFF, v19;
	v19 =	vand.u32 $0xFFFF0000, v15;
	v15 =	vand.u32 $0x1, v23  }
0x16b: {  	v28 =	vand.u32 $0x1, v28;
	v61 =	vshrl.u32 v26, $0x10;
	v15 =	vadd.s32 v15, v7  }
0x16c: {  	v29 =	vshrl.u32 v27, $0x10;
	v23 =	vshrl.u32 v9, $0x10;
	v15 =	vadd.s32 $0x7FFF, v15  }
0x16d: {  	v21 =	vand.u32 $0xFFFF0000, v15;
	v15 =	vadd.s32 v22, v8;
	v22 =	vand.u32 $0x1, v23  }
0x16e: {  	v29 =	vand.u32 $0x1, v29;
	v15 =	vadd.s32 $0x7FFF, v15;
	v23 =	vadd.s32 v22, v9  }
0x16f: {  	v29 =	vadd.s32 v29, v27;
	v22 =	vand.u32 $0xFFFF0000, v15;
	v15 =	vadd.s32 $0x7FFF, v23  }
0x170: {  	v23 =	vand.u32 $0xFFFF0000, v15;
	v15 =	vadd.s32 v28, v24;
	v28 =	vand.u32 $0x1, v61  }
0x171: {  	v27 =	vmul.f32 v27, v27;
	v15 =	vadd.s32 $0x7FFF, v15;
	v28 =	vadd.s32 v28, v26  }
0x172: {  	v24 =	vmul.f32 v24, v24;
	v15 =	vand.u32 $0xFFFF0000, v15;
	v28 =	vadd.s32 $0x7FFF, v28  }
0x173: {  	v26 =	vmul.f32 v26, v26;
	v30 =	vmul.f32 v15, v18;
	v28 =	vand.u32 $0xFFFF0000, v28  }
0x174: {  	v29 =	vadd.s32 $0x7FFF, v29;
	v15 =	vmul.f32 v15, v21;
	v31 =	vmul.f32 v28, v22  }
0x175: {  	v29 =	vand.u32 $0xFFFF0000, v29;
	v24 =	vadd.f32 v26, v24;
	v28 =	vmul.f32 v28, v19  }
0x176: {  	v20 =	vand.u32 $0xFFFF0000, v20;
	v26 =	vmul.f32 v29, v23;
	v15 =	vadd.f32 v31, v15  }
0x177: {  	s24 =	ssub.s32 s24, s23;
	s25 =	sadd.s32 $0x3000, s26;
	v29 =	vmul.f32 v29, v20;
	v24 =	vadd.f32 v27, v24;
	v28 =	vadd.f32 v28, v30  }
0x178: {  	p4 =	sne.s32 s24, $0x1;
	v43 =	vld [tilespmem:s25+$0x0];
	v25 =	vadd.f32 v62, v25;
	v15 =	vadd.f32 v26, v15  }
.Ltmp5:
0x179: {  	v27 =	vadd.f32 v24, v17;
	v26 =	vadd.f32 v29, v28;
	(pc) =	sbr.rel @!p4 .LBB2_4-.Ltmp5, $4  }
0x17a: {  	s23 =	sshll.u32 s23, $0x4;
	v24 =	vadd.f32 v24, v25;
	v63 =	vadd.f32 v15, v15  }
0x17b: {  	p0 =	por $0x0, $0x0;
	p1 =	por $0x0, $0x0;
	p2 =	por $0x0, $0x0;
	v26 =	vadd.f32 v26, v26  }
0x17c: {  	p3 =	por $0x0, $0x0;
	s24 =	sadd.s32 $0xFFFFFFFF, s24;
	s26 =	sadd.s32 $0x10, s26;
	v46 =	vsub.f32 v24, v63  }
0x17d: {  	s25 =	sadd.s32 $0x10, s25;
	s28 =	sadd.s32 $0x10, s28;
	s29 =	sadd.s32 $0x10, s29;
	vm2 =	veq.s32 v43, v16;
	v15 =	vimm.f32 $9.999999840e+17;
	v41 =	vsub.f32 v27, v26  }
0x17e: {  	v24 =	vmax.f32 v46, $0.0e+00  }
0x17f: {  	v26 =	vld [tilespmem:s26+$0x0];
	vm3 =	veq.s32 v43, v14;
	vm4 =	vle.f32 v24, $2.500000000e+01  }
0x180: {  	v27 =	vld [tilespmem:s28+$0x0];
	vm3 =	vmand vm3, vm4  }
0x181: {  	v28 =	vor.u32 s23, v2;
	v24 =	vnsel vm3, $0x72177617, v24  }
0x182: {  	v29 =	vmax.f32 v41, $0.0e+00;
	(xrf1) =	vsort.ascd.msk.f32 $0xffff, v24, v28  }
0x183: {  	vm3 =	vle.f32 v29, $2.500000000e+01;
	v24 =	vld [tilespmem:s29+$0x0]  }
0x184: {  	vm2 =	vmand vm2, vm3;
	v30 =	vshrl.u32 v26, $0x10  }
0x185: {  	v29 =	vnsel vm2, $0x72177617, v29;
	v58 =	vshrl.u32 v27, $0x10;
	v30 =	vand.u32 $0x1, v30  }
0x186: {  	(xrf1) =	vsort.ascd.msk.f32 $0xffff, v29, v28;
	v29 =	vand.u32 $0x1, v58;
	v57 =	vadd.s32 v30, v26  }
0x187: {  	v26 =	vmul.f32 v26, v26;
	v29 =	vadd.s32 v29, v27;
	v27 =	vmul.f32 v27, v27  }
0x188: {  	v28 =	vadd.s32 $0x7FFF, v57;
	v29 =	vadd.s32 $0x7FFF, v29;
	v59 =	vshrl.u32 v24, $0x10  }
0x189: {  	v28 =	vand.u32 $0xFFFF0000, v28;
	v29 =	vand.u32 $0xFFFF0000, v29;
	v30 =	vand.u32 $0x1, v59  }
0x18a: {  	v26 =	vadd.f32 v27, v26;
	v31 =	vmul.f32 v28, v18;
	v30 =	vadd.s32 v30, v24  }
0x18b: {  	v28 =	vmul.f32 v28, v21;
	v32 =	vmul.f32 v29, v22;
	v30 =	vadd.s32 $0x7FFF, v30  }
0x18c: {  	v29 =	vmul.f32 v29, v19;
	v24 =	vmul.f32 v24, v24;
	v30 =	vand.u32 $0xFFFF0000, v30  }
0x18d: {  	v27 =	vadd.f32 v32, v28;
	v60 =	vmul.f32 v30, v23  }
0x18e: {  	v43 =	vld [tilespmem:s25+$0x0];
	v29 =	vadd.f32 v29, v31;
	v24 =	vadd.f32 v24, v26;
	v30 =	vmul.f32 v30, v20  }
0x18f: {  	p4 =	sne.s32 s24, $0x1;
	v26 =	vadd.f32 v60, v27  }
.Ltmp6:
0x190: {  	v63 =	vadd.f32 v24, v17;
	v27 =	vadd.f32 v30, v29;
	v61, v62, _ =	vpop (xrf1);
	(pc) =	sbr.rel @!p4 .LBB2_6-.Ltmp6, $4  }
0x191: {  	v24 =	vadd.f32 v24, v25;
	v26 =	vadd.f32 v26, v26;
	v39 =	vperm.xlane v61, v4  }
0x192: {  	s24 =	sadd.s32 $0xFFFFFFFF, s24;
	v27 =	vadd.f32 v27, v27  }
0x193: {  	s25 =	sadd.s32 $0x10, s25;
	s23 =	sadd.s32 $0x10, s23;
	s26 =	sadd.s32 $0x10, s26;
	vm2 =	veq.s32 v43, v16;
	v46 =	vsub.f32 v24, v26;
	vm3 =	vle.f32 v15, v39  }
0x194: {  	s28 =	sadd.s32 $0x10, s28;
	p0 =	por $0x1, $0x1;
	s29 =	sadd.s32 $0x10, s29;
	v33 =	vperm.xlane v62, v4;
	v36, v38, _ =	vpop (xrf1);
	v41 =	vsub.f32 v63, v27;
	v24 =	vsel vm3, v39, v15  }
0x195: {  	v26 =	vld [tilespmem:s26+$0x0];
	v27 =	vmax.f32 v46, $0.0e+00  }
0x196: {  	vm4 =	veq.s32 v43, v14;
	vm5 =	vle.f32 v27, $2.500000000e+01  }
0x197: {  	v28 =	vsel vm3, v15, v39;
	v29 =	vsel vm3, v6, v33;
	vm4 =	vmand vm4, vm5  }
0x198: {  	(xrf1) =	vsort.ascd.msk.f32 $0xffff, v28, v29;
	v28 =	vld [tilespmem:s28+$0x0];
	v29 =	vor.u32 s23, v2;
	v27 =	vnsel vm4, $0x72177617, v27  }
0x199: {  	v30 =	vmax.f32 v41, $0.0e+00;
	(xrf1) =	vsort.ascd.msk.f32 $0xffff, v27, v29  }
0x19a: {  	vm4 =	vle.f32 v30, $2.500000000e+01;
	v27 =	vld [tilespmem:s29+$0x0];
	v31 =	vshrl.u32 v26, $0x10  }
0x19b: {  	v35 =	vperm.xlane v36, v4;
	vm2 =	vmand vm2, vm4;
	v31 =	vand.u32 $0x1, v31  }
0x19c: {  	v32 =	vperm.xlane v38, v4;
	v30 =	vnsel vm2, $0x72177617, v30;
	v31 =	vadd.s32 v31, v26  }
0x19d: {  	vm4 =	vle.f32 v15, v35;
	(xrf1) =	vsort.ascd.msk.f32 $0xffff, v30, v29;
	v30 =	vshrl.u32 v28, $0x10;
	v29 =	vadd.s32 $0x7FFF, v31  }
0x19e: {  	v26 =	vmul.f32 v26, v26;
	v30 =	vand.u32 $0x1, v30;
	v29 =	vand.u32 $0xFFFF0000, v29  }
0x19f: {  	v43 =	vld [tilespmem:s25+$0x0];
	v31 =	vshrl.u32 v27, $0x10;
	v30 =	vadd.s32 v30, v28;
	v28 =	vmul.f32 v28, v28  }
0x1a0: {  	v34 =	vmul.f32 v29, v18;
	v30 =	vadd.s32 $0x7FFF, v30;
	v31 =	vand.u32 $0x1, v31  }
0x1a1: {  	v29 =	vmul.f32 v29, v21;
	v30 =	vand.u32 $0xFFFF0000, v30;
	v31 =	vadd.s32 v31, v27  }
0x1a2: {  	v60 =	vmul.f32 v30, v19;
	v31 =	vadd.s32 $0x7FFF, v31;
	v30 =	vmul.f32 v30, v22  }
0x1a3: {  	v27 =	vmul.f32 v27, v27;
	v26 =	vadd.f32 v28, v26;
	v28 =	vand.u32 $0xFFFF0000, v31  }
0x1a4: {  	vm2 =	veq.s32 v43, v16;
	v29 =	vadd.f32 v30, v29;
	v30 =	vmul.f32 v28, v23  }
0x1a5: {  	v26 =	vadd.f32 v27, v26;
	v31 =	vadd.f32 v60, v34;
	v27 =	vmul.f32 v28, v20  }
0x1a6: {  	p4 =	sne.s32 s24, $0x1;
	v42 =	vsel vm4, v35, v15;
	v45 =	vsel vm4, v32, v10;
	v37, v34, _ =	vpop (xrf1);
	v29 =	vadd.f32 v30, v29  }
.Ltmp7:
0x1a7: {  	v28 =	vsel vm4, v10, v32;
	v27 =	vadd.f32 v27, v31;
	v31 =	vadd.f32 v26, v17;
	v62, v61, _ =	vpop (xrf1);
	(pc) =	sbr.rel @!p4 .LBB2_8-.Ltmp7, $4  }
0x1a8: {  	v26 =	vadd.f32 v26, v25;
	v63 =	vadd.f32 v29, v29;
	v39 =	vperm.xlane v62, v4  }
0x1a9: {  	s24 =	sadd.s32 $0xFFFFFFFF, s24;
	v30 =	vsel vm4, v15, v35;
	v35 =	vsel vm3, v33, v6;
	v27 =	vadd.f32 v27, v27  }
0x1aa: {  	s25 =	sadd.s32 $0x10, s25;
	s26 =	sadd.s32 $0x10, s26;
	p1 =	por $0x1, $0x1;
	(xrf1) =	vsort.ascd.msk.f32 $0xffff, v30, v28;
	v46 =	vsub.f32 v26, v63;
	vm4 =	vle.f32 v37, v39  }
0x1ab: {  	s23 =	sadd.s32 $0x10, s23;
	s28 =	sadd.s32 $0x10, s28;
	s29 =	sadd.s32 $0x10, s29;
	v29 =	vperm.xlane v61, v4;
	v36, v38, _ =	vpop (xrf1);
	v41 =	vsub.f32 v31, v27;
	v26 =	vsel vm4, v39, v37  }
0x1ac: {  	v28 =	vmax.f32 v46, $0.0e+00  }
0x1ad: {  	v27 =	vld [tilespmem:s26+$0x0];
	vm3 =	veq.s32 v43, v14;
	vm5 =	vle.f32 v28, $2.500000000e+01  }
0x1ae: {  	v30 =	vsel vm4, v37, v39;
	(xrf1) =	vsort.ascd.msk.f32 $0xffff, v42, v45;
	v32 =	vld [tilespmem:s28+$0x0];
	v31 =	vsel vm4, v34, v29;
	vm3 =	vmand vm3, vm5  }
0x1af: {  	(xrf1) =	vsort.ascd.msk.f32 $0xffff, v30, v31;
	v30 =	vor.u32 s23, v2;
	v28 =	vnsel vm3, $0x72177617, v28  }
0x1b0: {  	v31 =	vmax.f32 v41, $0.0e+00;
	(xrf1) =	vsort.ascd.msk.f32 $0xffff, v28, v30  }
0x1b1: {  	v33 =	vperm.xlane v38, v4;
	v36 =	vperm.xlane v36, v4;
	vm3 =	vle.f32 v31, $2.500000000e+01;
	v28 =	vld [tilespmem:s29+$0x0]  }
0x1b2: {  	v29 =	vsel vm4, v29, v34;
	vm2 =	vmand vm2, vm3;
	v50 =	vshrl.u32 v27, $0x10  }
0x1b3: {  	v31 =	vnsel vm2, $0x72177617, v31;
	v51 =	vshrl.u32 v32, $0x10;
	v37 =	vand.u32 $0x1, v50  }
0x1b4: {  	(xrf1) =	vsort.ascd.msk.f32 $0xffff, v31, v30;
	v31 =	vand.u32 $0x1, v51;
	v37 =	vadd.s32 v37, v27;
	v27 =	vmul.f32 v27, v27  }
0x1b5: {  	v43 =	vld [tilespmem:s25+$0x0];
	v31 =	vadd.s32 v31, v32;
	v32 =	vmul.f32 v32, v32;
	v30 =	vadd.s32 $0x7FFF, v37  }
0x1b6: {  	v31 =	vadd.s32 $0x7FFF, v31;
	v30 =	vand.u32 $0xFFFF0000, v30;
	v52 =	vshrl.u32 v28, $0x10  }
0x1b7: {  	v31 =	vand.u32 $0xFFFF0000, v31;
	v32 =	vadd.f32 v32, v27;
	v37 =	vand.u32 $0x1, v52  }
0x1b8: {  	v54 =	vmul.f32 v31, v19;
	v31 =	vmul.f32 v31, v22;
	v37 =	vadd.s32 v37, v28  }
0x1b9: {  	(xrf1) =	vsort.ascd.msk.f32 $0xffff, v24, v35;
	v53 =	vmul.f32 v30, v18;
	v30 =	vmul.f32 v30, v21;
	v37 =	vadd.s32 $0x7FFF, v37  }
0x1ba: {  	vm2 =	veq.s32 v43, v16;
	v28 =	vmul.f32 v28, v28;
	v37 =	vand.u32 $0xFFFF0000, v37  }
0x1bb: {  	v40, v55, _ =	vpop (xrf1);
	v38 =	vadd.f32 v54, v53;
	v24 =	vadd.f32 v31, v30;
	v30 =	vmul.f32 v37, v23  }
0x1bc: {  	vm3 =	vle.f32 v40, v36;
	v56 =	vadd.f32 v28, v32;
	v31, v27, _ =	vpop (xrf1);
	v57 =	vmul.f32 v37, v20  }
0x1bd: {  	p4 =	sne.s32 s24, $0x1;
	v58 =	vsel vm3, v55, v33;
	v44 =	vsel vm3, v40, v36;
	v37, v32, _ =	vpop (xrf1);
	v24 =	vadd.f32 v30, v24  }
.Ltmp8:
0x1be: {  	v28 =	vsel vm3, v36, v40;
	v60 =	vadd.f32 v56, v17;
	v59 =	vadd.f32 v57, v38;
	v62, v61, _ =	vpop (xrf1);
	(pc) =	sbr.rel @!p4 .LBB2_10-.Ltmp8, $4  }
0x1bf: {  	v35 =	vadd.f32 v56, v25;
	v24 =	vadd.f32 v24, v24;
	v39 =	vperm.xlane v62, v4  }
0x1c0: {  	s24 =	sadd.s32 $0xFFFFFFFF, s24;
	(xrf1) =	vsort.ascd.msk.f32 $0xffff, v44, v58;
	v31 =	vperm.xlane v31, v4;
	v63 =	vadd.f32 v59, v59  }
0x1c1: {  	s25 =	sadd.s32 $0x10, s25;
	s26 =	sadd.s32 $0x10, s26;
	s28 =	sadd.s32 $0x10, s28;
	v30 =	vsel vm3, v33, v55;
	v46 =	vsub.f32 v35, v24;
	vm3 =	vle.f32 v37, v39  }
0x1c2: {  	p2 =	por $0x1, $0x1;
	s23 =	sadd.s32 $0x10, s23;
	s29 =	sadd.s32 $0x10, s29;
	v33 =	vperm.xlane v61, v4;
	v36, v38, _ =	vpop (xrf1);
	v41 =	vsub.f32 v60, v63;
	v24 =	vsel vm3, v39, v37  }
0x1c3: {  	v34 =	vld [tilespmem:s26+$0x0];
	v35 =	vperm.xlane v38, v4  }
0x1c4: {  	v37 =	vsel vm3, v37, v39;
	v56 =	vmax.f32 v46, $0.0e+00;
	v42 =	vld [tilespmem:s29+$0x0];
	v55 =	vmax.f32 v41, $0.0e+00  }
0x1c5: {  	vm5 =	veq.s32 v43, v14;
	v57 =	vld [tilespmem:s28+$0x0];
	v44 =	vperm.xlane v27, v4;
	vm4 =	vle.f32 v55, $2.500000000e+01  }
0x1c6: {  	v58 =	vor.u32 s23, v2;
	vm6 =	vle.f32 v56, $2.500000000e+01;
	vm2 =	vmand vm2, vm4  }
0x1c7: {  	(xrf1) =	vsort.ascd.msk.f32 $0xffff, v28, v30;
	v54 =	vsel vm3, v32, v33;
	vm4 =	vmand vm5, vm6;
	v59 =	vnsel vm2, $0x72177617, v55  }
0x1c8: {  	(xrf1) =	vsort.ascd.msk.f32 $0xffff, v37, v54;
	v60 =	vnsel vm4, $0x72177617, v56;
	vm4 =	vle.f32 v15, v31;
	v61 =	vmul.f32 v34, v34  }
0x1c9: {  	v48, v63, _ =	vpop (xrf1);
	v45 =	vshrl.u32 v34, $0x10;
	(xrf1) =	vsort.ascd.msk.f32 $0xffff, v60, v58;
	v44 =	vsel vm4, v10, v44;
	v49 =	vshrl.u32 v42, $0x10  }
0x1ca: {  	v47 =	vsel vm4, v15, v31;
	v50 =	vshrl.u32 v57, $0x10;
	v51 =	vperm.xlane v48, v4  }
0x1cb: {  	v52 =	vperm.xlane v63, v4;
	v43 =	vmul.f32 v57, v57;
	v62 =	vand.u32 $0x1, v45;
	(xrf1) =	vsort.ascd.msk.f32 $0xffff, v59, v58  }
0x1cc: {  	v37 =	vand.u32 $0x1, v50;
	v39 =	vand.u32 $0x1, v49;
	v34 =	vadd.s32 v62, v34;
	(xrf1) =	vsort.ascd.msk.f32 $0xffff, v47, v44  }
0x1cd: {  	v37 =	vadd.s32 v37, v57;
	vm4 =	vle.f32 v15, v51;
	v39 =	vadd.s32 v39, v42  }
0x1ce: {  	v40 =	vld [tilespmem:s25+$0x0];
	v42 =	vmul.f32 v42, v42;
	v41 =	vadd.f32 v43, v61;
	v34 =	vadd.s32 $0x7FFF, v34  }
0x1cf: {  	v37 =	vadd.s32 $0x7FFF, v37;
	v38 =	vsel vm4, v15, v51;
	v44 =	vsel vm4, v6, v52  }
0x1d0: {  	v39 =	vadd.s32 $0x7FFF, v39;
	v34 =	vand.u32 $0xFFFF0000, v34;
	v37 =	vand.u32 $0xFFFF0000, v37;
	(xrf1) =	vsort.ascd.msk.f32 $0xffff, v38, v44  }
0x1d1: {  	v41 =	vadd.f32 v42, v41;
	v53 =	vmul.f32 v34, v18;
	v34 =	vmul.f32 v34, v21  }
0x1d2: {  	v39 =	vand.u32 $0xFFFF0000, v39;
	v54 =	vmul.f32 v37, v19;
	v37 =	vmul.f32 v37, v22;
	(xrf1) =	vsort.ascd.msk.f32 $0xffff, v26, v29  }
0x1d3: {  	v36 =	vperm.xlane v36, v4;
	vm2 =	veq.s32 v40, v16;
	v59 =	vmul.f32 v39, v23  }
0x1d4: {  	v39 =	vmul.f32 v39, v20;
	v56, v55, _ =	vpop (xrf1);
	v51 =	vadd.f32 v41, v17;
	v58 =	vadd.f32 v37, v34  }
0x1d5: {  	v52 =	vadd.f32 v41, v25;
	v57 =	vadd.f32 v54, v53;
	vm4 =	vle.f32 v56, v36;
	v48, v44, _ =	vpop (xrf1)  }
0x1d6: {  	p4 =	sne.s32 s24, $0x1;
	v49 =	vsel vm4, v55, v35;
	v50 =	vsel vm4, v56, v36;
	v46 =	vadd.f32 v59, v58;
	v37, v34, _ =	vpop (xrf1)  }
.Ltmp9:
0x1d7: {  	v42 =	vsel vm4, v36, v56;
	v45 =	vsel vm4, v35, v55;
	v60 =	vadd.f32 v39, v57;
	v61, v62, _ =	vpop (xrf1);
	(pc) =	sbr.rel @!p4 .LBB2_12-.Ltmp9, $4  }
0x1d8: {  	(xrf1) =	vsort.ascd.msk.f32 $0xffff, v50, v49;
	v46 =	vadd.f32 v46, v46;
	v39 =	vperm.xlane v61, v4  }
0x1d9: {  	s24 =	sadd.s32 $0xFFFFFFFF, s24;
	v35 =	vsel vm3, v33, v32;
	v48 =	vperm.xlane v48, v4;
	v63 =	vadd.f32 v60, v60  }
0x1da: {  	s25 =	sadd.s32 $0x10, s25;
	s23 =	sadd.s32 $0x10, s23;
	s26 =	sadd.s32 $0x10, s26;
	v46 =	vsub.f32 v52, v46;
	v43 =	vperm.xlane v62, v4;
	v36, v38, _ =	vpop (xrf1);
	vm4 =	vle.f32 v37, v39  }
0x1db: {  	s28 =	sadd.s32 $0x10, s28;
	s29 =	sadd.s32 $0x10, s29;
	p3 =	por $0x1, $0x1;
	v32 =	vmov v34;
	v41 =	vsub.f32 v51, v63;
	v47, v49, _ =	vpop (xrf1);
	v50 =	vsel vm4, v39, v37  }
.LBB2_13:
0x1dc: {  	v33 =	vld [tilespmem:s26+$0x0];
	p4 =	sne.s32 s24, $0x1;
	s24 =	sadd.s32 $0xFFFFFFFF, s24;
	v38 =	vperm.xlane v38, v4;
	v37 =	vsel vm4, v37, v39;
	v34 =	vsel vm4, v34, v43;
	v51 =	vmovc v43  }
0x1dd: {  	v36 =	vperm.xlane v36, v4;
	v39 =	vld [tilespmem:s25+$0x0];
	v41 =	vmax.f32 v41, $0.0e+00;
	v43 =	vmax.f32 v46, $0.0e+00;
	(xrf1) =	vsort.ascd.msk.f32 $0xffff, v42, v45  }
0x1de: {  	vm5 =	veq.s32 v40, v14;
	v42 =	vld [tilespmem:s29+$0x0];
	vm3 =	vle.f32 v41, $2.500000000e+01;
	vm6 =	vle.f32 v43, $2.500000000e+01;
	(xrf1) =	vsort.ascd.msk.f32 $0xffff, v37, v34  }
0x1df: {  	v37 =	vperm.xlane v44, v4;
	v34 =	vld [tilespmem:s28+$0x0];
	vm2 =	vmand vm2, vm3;
	vm3 =	vmand vm5, vm6  }
0x1e0: {  	v40 =	vor.u32 s23, v2;
	v41 =	vnsel vm2, $0x72177617, v41;
	v54 =	vnsel vm3, $0x72177617, v43;
	v44, v45, _ =	vpop (xrf1)  }
0x1e1: {  	vm3 =	vle.f32 v47, v48;
	v46 =	vmul.f32 v33, v33;
	v52 =	vshrl.u32 v33, $0x10;
	(xrf1) =	vsort.ascd.msk.f32 $0xffff, v54, v40;
	v43, v53, _ =	vpop (xrf1)  }
0x1e2: {  	v37 =	vsel vm3, v49, v37;
	v52 =	vand.u32 $0x1, v52;
	vm2 =	veq.s32 v39, v16;
	(xrf1) =	vsort.ascd.msk.f32 $0xffff, v41, v40  }
0x1e3: {  	v47 =	vsel vm3, v47, v48;
	v40 =	vmovc v39;
	v33 =	vadd.s32 v52, v33;
	v41 =	vshrl.u32 v42, $0x10  }
0x1e4: {  	v43 =	vperm.xlane v43, v4;
	v33 =	vadd.s32 $0x7FFF, v33;
	v39 =	vshrl.u32 v34, $0x10;
	(xrf1) =	vsort.ascd.msk.f32 $0xffff, v47, v37  }
0x1e5: {  	v33 =	vand.u32 $0xFFFF0000, v33;
	v37 =	vand.u32 $0x1, v39;
	v39 =	vperm.xlane v53, v4  }
0x1e6: {  	vm3 =	vle.f32 v44, v43;
	v37 =	vadd.s32 v37, v34;
	v47 =	vmul.f32 v33, v18;
	v48, v49, _ =	vpop (xrf1)  }
0x1e7: {  	v43 =	vsel vm3, v44, v43;
	v33 =	vmul.f32 v33, v21;
	v37 =	vadd.s32 $0x7FFF, v37  }
0x1e8: {  	v41 =	vand.u32 $0x1, v41;
	v39 =	vsel vm3, v45, v39;
	v37 =	vand.u32 $0xFFFF0000, v37  }
0x1e9: {  	v53 =	vmul.f32 v34, v34;
	v41 =	vadd.s32 v41, v42;
	v45 =	vmul.f32 v37, v19  }
0x1ea: {  	v42 =	vmul.f32 v42, v42;
	v41 =	vadd.s32 $0x7FFF, v41;
	v52 =	vmul.f32 v37, v22;
	(xrf1) =	vsort.ascd.msk.f32 $0xffff, v43, v39  }
0x1eb: {  	v41 =	vand.u32 $0xFFFF0000, v41;
	v39 =	vadd.f32 v53, v46;
	v43 =	vadd.f32 v45, v47;
	v46, v44, _ =	vpop (xrf1);
	(xrf1) =	vsort.ascd.msk.f32 $0xffff, v24, v35  }
0x1ec: {  	vm3 =	vle.f32 v48, v36;
	v33 =	vadd.f32 v52, v33;
	v35 =	vmul.f32 v41, v23;
	v37, v34, _ =	vpop (xrf1)  }
0x1ed: {  	v24 =	vmovc v50;
	v47 =	vadd.f32 v42, v39;
	v39 =	vmul.f32 v41, v20;
	v41 =	vsel vm3, v49, v38  }
0x1ee: {  	v42 =	vsel vm3, v36, v48;
	v33 =	vadd.f32 v35, v33;
	v35 =	vsel vm3, v48, v36  }
.Ltmp10:
0x1ef: {  	v45 =	vsel vm3, v38, v49;
	v43 =	vadd.f32 v39, v43;
	v50 =	vadd.f32 v47, v17;
	v36, v48, _ =	vpop (xrf1);
	(pc) =	sbr.rel @p4 .LBB2_13-.Ltmp10, $4  }
0x1f0: {  	v33 =	vadd.f32 v33, v33;
	v39 =	vperm.xlane v36, v4;
	v36, v38, _ =	vpop (xrf1);
	(xrf1) =	vsort.ascd.msk.f32 $0xffff, v35, v41  }
0x1f1: {  	v52 =	vadd.f32 v47, v25;
	v41 =	vadd.f32 v43, v43;
	v43 =	vperm.xlane v48, v4  }
0x1f2: {  	s23 =	sadd.s32 $0x10, s23;
	s25 =	sadd.s32 $0x10, s25;
	v35 =	vsel vm4, v51, v32;
	v48 =	vperm.xlane v46, v4;
	vm4 =	vle.f32 v37, v39;
	v47, v49, _ =	vpop (xrf1)  }
0x1f3: {  	s26 =	sadd.s32 $0x10, s26;
	s29 =	sadd.s32 $0x10, s29;
	s28 =	sadd.s32 $0x10, s28;
	v32 =	vmovc v34;
	v46 =	vsub.f32 v52, v33;
	v41 =	vsub.f32 v50, v41;
	v50 =	vsel vm4, v39, v37  }
.Ltmp11:
0x1f4: {  	(pc) =	sbr.rel .LBB2_15-.Ltmp11, $2  }
0x1f5: {  	_ =	sdelay $0x2  }
0x1f6: {  	v16 =	vmovc v24;
	vm3 =	vmmov vm4;
	v33 =	vmovc v43;
	v43 =	vmov v40;
	v24 =	vmov v50  }
.LBB2_6:
.Ltmp12:
0x1f7: {  	(pc) =	sbr.rel .LBB2_15-.Ltmp12, $2  }
0x1f8: {  	_ =	sdelay $0x2  }
0x1f9: {  	v37 =	vimm.f32 $9.999999840e+17;
	v34 =	vmovc v6;
	v47 =	vimm.f32 $9.999999840e+17;
	v49 =	vmovc v10;
	v32 =	vmov v6  }
.LBB2_8:
.Ltmp13:
0x1fa: {  	(pc) =	sbr.rel .LBB2_15-.Ltmp13, $3  }
0x1fb: {  	_ =	sdelay $0x1  }
0x1fc: {  	v16 =	vmov v24;
	v24 =	vmov v26  }
0x1fd: {  	vm3 =	vmmov vm4;
	v47 =	vimm.f32 $9.999999840e+17;
	v49 =	vmovc v10;
	v32 =	vmovc v34;
	v33 =	vmov v29  }
.LBB2_10:
.Ltmp14:
0x1fe: {  	(pc) =	sbr.rel .LBB2_15-.Ltmp14, $3  }
0x1ff: {  	_ =	sdelay $0x1  }
0x200: {  	v34 =	vmovc v32;
	v42 =	vmov v28;
	v45 =	vmov v30;
	v44 =	vmov v27  }
0x201: {  	v47 =	vimm.f32 $9.999999840e+17;
	v48 =	vmovc v31;
	v49 =	vmovc v10;
	v16 =	vmov v26;
	v35 =	vmov v29  }
.LBB2_12:
.Ltmp15:
0x202: {  	(pc) =	sbr.rel .LBB2_15-.Ltmp15, $3  }
0x203: {  	_ =	sdelay $0x1  }
0x204: {  	v16 =	vmov v24  }
0x205: {  	vm3 =	vmmov vm4;
	v33 =	vmovc v43;
	v43 =	vmovc v40;
	v24 =	vmov v50;
	v32 =	vmov v34  }
.LBB2_18:
0x206: {  	_ =	sfence.sel $0x180000  }
0x207: {  	[bflag:$0x0] =	sbarrier.arrive $0xFFFF  }
0x208: {  	p0 =	sne.s32 s5, $0x0;
	_ =	strace $0x90000047  }
0x209: {  	s0 =	sadd.s32 @!p0 $0x100000, s3;
	[bflag:$0x2] =	sbarrier.arrive $0xFFFF  }
0x20a: {  	[sflag:s0] =	ssyncadd.tile.s32 @!p0 $0x1;
	_ =	shalt  }
.Lfunc_end2:
_tile_overlayer_lowered:
.L_overlay_start_2:
0x20b: {  	(tag) =	ssettag $0x2  }
0x20c: {  	s0 =	rddreg [dreg:$0x0];
	s2 =	stileid.u32  }
0x20d: {  	s1 =	rddreg [dreg:$0x1];
	p0 =	sne.s32 s2, $0x0  }
0x20e: {  	s3 =	rddreg [dreg:$0x2];
	[bflag:$0x3] =	sbarrier.arrive $0xFFFF;
	s2 =	simm.s32 @!p0 $0x1C01  }
0x20f: {  	[timem:s3], [sflag:s2] =	dma.local @!p0 [hbm:s0], s1  }
0x210: {  	s0 =	simm.s32 @!p0 $0x1  }
0x211: {  	_ =	swait.ge @!p0 [sflag:s0], s1  }
0x212: {  	s1 =	ssub.s32 @!p0 $0x0, s1;
	[sflag:s0] =	ssyncset.done @!p0 $0x0  }
0x213: {  	[sflag:s0] =	ssyncadd.s32 @!p0 s1  }
0x214: {  	[bflag:$0x3] =	sbarrier.arrive $0xFFFF  }
0x215: {  	_ =	shalt  }

</sc_bundles>
